<compile_context>
chip_gen: v7x
topology: tpu7x:2x2x1
jax: 0.10.2.dev20260603
libtpu: 0.0.44.dev20260713+nightly
codegen_flags: <defaults>
</compile_context>

<pallas_src>
import functools

import jax
import jax.numpy as jnp
from jax import lax
from jax.experimental import pallas as pl
from jax.experimental.pallas import tpu as pltpu
from jax.experimental.pallas import tpu_sc as plsc

_N = 10000
_E = 320000
_D = 128
_H = 128
_O = 32

_NC = 2
_NS = 16
_CHUNK = 128
_NSL = 64
_NCHUNK_S = 40
_EPT_S = _NCHUNK_S * _CHUNK
_EPAD = _NSL * _EPT_S
_FSL = 32
_NPAD = 10112
_NROWCHUNKS = _NPAD // _CHUNK
_DUMP = _NPAD - 1

_mesh = plsc.VectorSubcoreMesh(
    core_axis_name="c", subcore_axis_name="s", num_cores=_NC, num_subcores=_NS
)


def _row_chunks_for(sid):
    return (_NROWCHUNKS - sid + _NS - 1) // _NS


_EB = 8192
_NEB = _EPAD // _EB


def _deg_tc_body(dst_ref, out_ref):
    i = pl.program_id(0)
    d = dst_ref[0]
    hi = d >> 7
    lo = d & 127
    io = lax.broadcasted_iota(jnp.int32, (128, _EB), 0)
    hi_oh = jnp.where(hi == io, 1.0, 0.0).astype(jnp.bfloat16)
    lo_oh = jnp.where(lo == io, 1.0, 0.0).astype(jnp.bfloat16)
    prod = lax.dot_general(
        hi_oh, lo_oh, (((1,), (1,)), ((), ())), preferred_element_type=jnp.float32
    )

    @pl.when(i == 0)
    def _():
        out_ref[...] = jnp.zeros_like(out_ref)

    out_ref[...] += prod


_deg_tc = pl.pallas_call(
    _deg_tc_body,
    grid=(_NEB,),
    in_specs=[pl.BlockSpec((1, 1, _EB), lambda i: (i, 0, 0))],
    out_specs=pl.BlockSpec((128, 128), lambda i: (0, 0)),
    out_shape=jax.ShapeDtypeStruct((128, 128), jnp.float32),
)


@functools.partial(
    pl.kernel,
    out_type=jax.ShapeDtypeStruct((_NC, _NPAD, _H), jnp.float32),
    mesh=_mesh,
    scratch_types=[
        pltpu.VMEM((_EPT_S,), jnp.int32),
        pltpu.VMEM((_NCHUNK_S, _CHUNK), jnp.int32),
        [pltpu.VMEM((_CHUNK, _H), jnp.float32)] * 2,
        pltpu.VMEM_SHARED((_NPAD, _H), jnp.float32),
        [pltpu.SemaphoreType.DMA] * 2,
        pltpu.SemaphoreType.DMA,
    ],
)
def _msg_kernel(hs_hbm, src_hbm, dst_hbm, p_out, srcv, dstv, rows, aggsh, gsem, isem):
    cid = lax.axis_index("c")
    sid = lax.axis_index("s")
    zeros16 = jnp.zeros((16,), jnp.float32)

    def zero_rows(i, _):
        def zcol(j, _):
            rows[0][i, pl.ds(j * 16, 16)] = zeros16
            return 0

        lax.fori_loop(0, _H // 16, zcol, 0)
        return 0

    lax.fori_loop(0, _CHUNK, zero_rows, 0)

    nz = _row_chunks_for(sid)

    def zero_shared(k, _):
        c = sid + k * _NS
        pltpu.sync_copy(rows[0], aggsh.at[pl.ds(c * _CHUNK, _CHUNK)])
        return 0

    lax.fori_loop(0, nz, zero_shared, 0)
    plsc.subcore_barrier()

    n_my = jnp.where(
        cid == 0,
        (_FSL - sid + _NS - 1) // _NS,
        ((_NSL - _FSL) - sid + _NS - 1) // _NS,
    )
    base = jnp.where(cid == 0, sid, _FSL + sid)

    def gather(c, b):
        pltpu.async_copy(
            hs_hbm.at[srcv.at[pl.ds(c * _CHUNK, _CHUNK)]], rows[b], gsem[b]
        )

    def wait_gather(b):
        pltpu.make_async_copy(hs_hbm.at[pl.ds(0, _CHUNK)], rows[b], gsem[b]).wait()

    def do_slice(j, _):
        s = base + j * _NS
        pltpu.async_copy(src_hbm.at[s], srcv, isem)
        pltpu.async_copy(dst_hbm.at[s], dstv, isem)
        pltpu.make_async_copy(src_hbm.at[0], srcv, isem).wait()
        pltpu.make_async_copy(dst_hbm.at[0], dstv, isem).wait()
        gather(0, 0)

        def body(it, _):
            c0 = 2 * it
            gather(c0 + 1, 1)
            wait_gather(0)
            pltpu.sync_copy(rows[0], aggsh.at[dstv.at[c0]], add=True)

            @pl.when(c0 + 2 < _NCHUNK_S)
            def _():
                gather(c0 + 2, 0)

            wait_gather(1)
            pltpu.sync_copy(rows[1], aggsh.at[dstv.at[c0 + 1]], add=True)
            return 0

        lax.fori_loop(0, _NCHUNK_S // 2, body, 0)
        return 0

    lax.fori_loop(0, n_my, do_slice, 0)
    plsc.subcore_barrier()

    def copy_out(k, _):
        c = sid + k * _NS
        sl = pl.ds(c * _CHUNK, _CHUNK)
        pltpu.sync_copy(aggsh.at[sl], p_out.at[cid, sl])
        return 0

    lax.fori_loop(0, nz, copy_out, 0)


def _pre_body(deg_ref, x_ref, w1_ref, hs_ref, dinv_ref):
    deg = deg_ref[...] + 1.0
    di = lax.rsqrt(deg)
    dinv_ref[...] = di
    hs_ref[...] = jnp.dot(x_ref[...], w1_ref[...], preferred_element_type=jnp.float32) * di


_pre_call = pl.pallas_call(
    _pre_body,
    out_shape=(
        jax.ShapeDtypeStruct((_N, _H), jnp.float32),
        jax.ShapeDtypeStruct((_N, 1), jnp.float32),
    ),
)


def _mid_body(p_ref, hs_ref, dinv_ref, b1_ref, g_ref, be_ref, w2_ref, hs2_ref):
    di = dinv_ref[...]
    p = p_ref[0, :_N, :] + p_ref[1, :_N, :]
    t = di * (p + hs_ref[...]) + b1_ref[...]
    h = jnp.where(t > 0, t, jnp.exp(t) - 1.0)
    mean = jnp.mean(h, axis=0, keepdims=True)
    var = jnp.mean((h - mean) * (h - mean), axis=0, keepdims=True)
    h = (h - mean) * lax.rsqrt(var + 1e-5) * g_ref[...] + be_ref[...]
    hs2_ref[...] = jnp.dot(h, w2_ref[...], preferred_element_type=jnp.float32) * di


_mid_call = pl.pallas_call(
    _mid_body,
    out_shape=jax.ShapeDtypeStruct((_N, _H), jnp.float32),
)


def _post_body(p_ref, hs_ref, dinv_ref, b2_ref, wc_ref, bc_ref, out_ref):
    di = dinv_ref[...]
    p = p_ref[0, :_N, :] + p_ref[1, :_N, :]
    t = di * (p + hs_ref[...]) + b2_ref[...]
    h = jnp.where(t > 0, t, jnp.exp(t) - 1.0)
    logits = jnp.dot(h, wc_ref[...], preferred_element_type=jnp.float32) + bc_ref[...]
    m = jnp.max(logits, axis=1, keepdims=True)
    lse = m + jnp.log(jnp.sum(jnp.exp(logits - m), axis=1, keepdims=True))
    out_ref[...] = logits - lse


_post_call = pl.pallas_call(
    _post_body,
    out_shape=jax.ShapeDtypeStruct((_N, _O), jnp.float32),
)


@jax.jit
def kernel(x, edge_index, W1, b1, W2, b2, gamma, beta, Wc, bc):
    src = edge_index[0].astype(jnp.int32)
    dst = edge_index[1].astype(jnp.int32)
    npad = _EPAD - _E
    srcp = jnp.concatenate([src, jnp.zeros((npad,), jnp.int32)]).reshape(_NSL, _EPT_S)
    dstp = jnp.concatenate([dst, jnp.full((npad,), _DUMP, jnp.int32)]).reshape(
        _NSL, _NCHUNK_S, _CHUNK
    )

    deg2d = _deg_tc(dstp.reshape(_NEB, 1, _EB))
    deg = deg2d.reshape(-1)[:_N].reshape(_N, 1)
    hs1, dinv = _pre_call(deg, x, W1)
    p1 = _msg_kernel(hs1, srcp, dstp)
    hs2 = _mid_call(
        p1, hs1, dinv, b1.reshape(1, _H), gamma.reshape(1, _H), beta.reshape(1, _H), W2
    )
    p2 = _msg_kernel(hs2, srcp, dstp)
    return _post_call(p2, hs2, dinv, b2.reshape(1, _H), Wc, bc.reshape(1, _O))

# --- scband reference (transcript-rebuilt; emitter-appended) ---
"""Pipeline reference for scband-clinical-gnn-36584531427448 (READ-ONLY COPY).

The authoritative reference and input builder live on the scoring server;
editing this copy changes nothing except your own understanding.
"""

import jax, jax.numpy as jnp
import numpy as np

N = 10000
E = 320000
D = 128
H = 128
O = 32


def setup_inputs(seed: int = 0) -> dict:
    key = jax.random.key(seed)
    ks = jax.random.split(key, 12)
    x = jax.random.normal(ks[0], (N, D), dtype=jnp.float32)
    edge_index = jax.random.randint(ks[1], (2, E), 0, N)
    W1 = jax.random.normal(ks[2], (D, H), dtype=jnp.float32) * (1.0 / np.sqrt(D))
    b1 = jnp.zeros((H,), dtype=jnp.float32)
    W2 = jax.random.normal(ks[3], (H, H), dtype=jnp.float32) * (1.0 / np.sqrt(H))
    b2 = jnp.zeros((H,), dtype=jnp.float32)
    gamma = jnp.ones((H,), dtype=jnp.float32)
    beta = jnp.zeros((H,), dtype=jnp.float32)
    Wc = jax.random.normal(ks[4], (H, O), dtype=jnp.float32) * (1.0 / np.sqrt(H))
    bc = jnp.zeros((O,), dtype=jnp.float32)
    return {"x": x, "edge_index": edge_index, "W1": W1, "b1": b1, "W2": W2, "b2": b2, "gamma": gamma, "beta": beta, "Wc": Wc, "bc": bc}


def reference(x, edge_index, W1, b1, W2, b2, gamma, beta, Wc, bc):
    n = x.shape[0]
    loops = jnp.arange(n, dtype=edge_index.dtype)
    src = jnp.concatenate([edge_index[0], loops])
    dst = jnp.concatenate([edge_index[1], loops])

    # GCN normalization (with self loops), computed from in-degree of dst
    deg = jnp.zeros((n,), dtype=x.dtype).at[dst].add(1.0)
    dinv = 1.0 / jnp.sqrt(deg)
    norm = (dinv[src] * dinv[dst])[:, None]

    def gcn_conv(h, W, b):
        h = h @ W
        msg = h[src] * norm
        agg = jnp.zeros((n, h.shape[1]), dtype=h.dtype).at[dst].add(msg)
        return agg + b

    h = jax.nn.elu(gcn_conv(x, W1, b1))
    # BatchNorm1d (training mode: batch statistics)
    mean = h.mean(axis=0)
    var = h.var(axis=0)
    h = (h - mean) / jnp.sqrt(var + 1e-5) * gamma + beta
    h = jax.nn.elu(gcn_conv(h, W2, b2))
    logits = h @ Wc + bc
    return jax.nn.log_softmax(logits, axis=1)

if __name__ == "__main__":
    import jax
    _d = setup_inputs()
    print(jax.jit(kernel)(*tuple(_d.values())))

</pallas_src>

<mosaic_0001>
#map = affine_map<(d0, d1) -> (0, 0)>
#map1 = affine_map<(d0, d1) -> (0, 0, 0)>
module attributes {stable_mosaic.version = 14 : i64} {
  func.func @_msg_kernel(%arg0: i32, %arg1: i32, %arg2: memref<10000x128xf32, #tpu.memory_space<hbm>>, %arg3: memref<64x5120xi32, #tpu.memory_space<hbm>>, %arg4: memref<64x40x128xi32, #tpu.memory_space<hbm>>, %arg5: memref<2x10112x128xf32, #tpu.memory_space<hbm>>, %arg6: memref<5120xi32, #tpu.memory_space<vmem>>, %arg7: memref<40x128xi32, #tpu.memory_space<vmem>>, %arg8: memref<128x128xf32, #tpu.memory_space<vmem>>, %arg9: memref<128x128xf32, #tpu.memory_space<vmem>>, %arg10: memref<10112x128xf32, #tpu.memory_space<vmem_shared>>, %arg11: memref<!tpu.dma_semaphore, #tpu.memory_space<semaphore_mem>>, %arg12: memref<!tpu.dma_semaphore, #tpu.memory_space<semaphore_mem>>, %arg13: memref<!tpu.dma_semaphore, #tpu.memory_space<semaphore_mem>>) attributes {dimension_semantics = [#tpu.dimension_semantics<core_parallel>, #tpu.dimension_semantics<subcore_parallel>], iteration_bounds = array<i64: 2, 16>, scalar_prefetch = 0 : i64, scratch_operands = 8 : i64, tpu.core_type = #tpu.core_type<sc_vector_subcore>, window_params = [{transform_indices = #map}, {transform_indices = #map}, {transform_indices = #map1}, {transform_indices = #map1}]} {
    %broadcast_in_dim3A = arith.constant 0.000000e+00 : f32
    %broadcast_in_dim3A_0 = vector.broadcast %broadcast_in_dim3A : f32 to vector<16xf32>
    %scan3A = arith.constant 0 : i32
    %scan3A_1 = arith.constant 0 : i32
    %scan3A_2 = arith.constant 128 : i32
    %scan3A_3 = arith.addi %scan3A_1, %scan3A_2 : i32
    %scan3A_4 = arith.constant 1 : i32
    %scan3A_5 = scf.for %scan3A_131 = %scan3A_1 to %scan3A_3 step %scan3A_4 iter_args(%scan3A_132 = %scan3A) -> (i32)  : i32 {
      %scan3A_133 = arith.constant 0 : i32
      %scan3A_134 = arith.constant 0 : i32
      %scan3A_135 = arith.constant 8 : i32
      %scan3A_136 = arith.addi %scan3A_134, %scan3A_135 : i32
      %scan3A_137 = arith.constant 1 : i32
      %scan3A_138 = scf.for %scan3A_141 = %scan3A_134 to %scan3A_136 step %scan3A_137 iter_args(%scan3A_142 = %scan3A_133) -> (i32)  : i32 {
        %mul3A = arith.constant 16 : i32
        %mul3A_143 = arith.muli %scan3A_141, %mul3A : i32
        %swap3A = arith.index_cast %scan3A_131 : i32 to index
        %swap3A_144 = arith.index_cast %mul3A_143 : i32 to index
        %swap3A_145 = tpu.vector_load %arg8[%swap3A, %swap3A_144] {strides = array<i32>} : memref<128x128xf32, #tpu.memory_space<vmem>>, vector<1x16xf32>,
        %swap3A_146 = vector.shape_cast %swap3A_145 : vector<1x16xf32> to vector<16xf32>
        %swap3A_147 = vector.shape_cast %broadcast_in_dim3A_0 : vector<16xf32> to vector<1x16xf32>
        tpu.vector_store %arg8[%swap3A, %swap3A_144], %swap3A_147 {strides = array<i32>} : memref<128x128xf32, #tpu.memory_space<vmem>>, vector<1x16xf32>,
        %scan3A_148 = arith.constant 0 : i32
        scf.yield %scan3A_148 : i32
      }
      %scan3A_139 = arith.constant 8 : i32
      %scan3A_140 = arith.constant 0 : i32
      scf.yield %scan3A_140 : i32
    }
    %scan3A_6 = arith.constant 128 : i32
    %sub3A = arith.constant 79 : i32
    %sub3A_7 = arith.subi %sub3A, %arg1 : i32
    %add3A = arith.constant 16 : i32
    %add3A_8 = arith.addi %sub3A_7, %add3A : i32
    %sub3A_9 = arith.constant 1 : i32
    %sub3A_10 = arith.subi %add3A_8, %sub3A_9 : i32
    %jit3A = arith.constant 16 : i32
    %div3A = arith.divsi %sub3A_10, %jit3A : i32
    %sign3A = arith.constant 0 : i32
    %sign3A_11 = arith.cmpi sgt, %sub3A_10, %sign3A : i32
    %sign3A_12 = arith.extui %sign3A_11 : i1 to i32
    %sign3A_13 = arith.constant 0 : i32
    %sign3A_14 = arith.cmpi slt, %sub3A_10, %sign3A_13 : i32
    %sign3A_15 = arith.extui %sign3A_14 : i1 to i32
    %sign3A_16 = arith.subi %sign3A_12, %sign3A_15 : i32
    %sign3A_17 = arith.constant 0 : i32
    %sign3A_18 = arith.cmpi sgt, %jit3A, %sign3A_17 : i32
    %sign3A_19 = arith.extui %sign3A_18 : i1 to i32
    %sign3A_20 = arith.constant 0 : i32
    %sign3A_21 = arith.cmpi slt, %jit3A, %sign3A_20 : i32
    %sign3A_22 = arith.extui %sign3A_21 : i1 to i32
    %sign3A_23 = arith.subi %sign3A_19, %sign3A_22 : i32
    %ne3A = arith.cmpi ne, %sign3A_16, %sign3A_23 : i32
    %rem3A = arith.remsi %sub3A_10, %jit3A : i32
    %ne3A_24 = arith.constant 0 : i32
    %ne3A_25 = arith.cmpi ne, %rem3A, %ne3A_24 : i32
    %and3A = arith.andi %ne3A, %ne3A_25 : i1
    %sub3A_26 = arith.constant 1 : i32
    %sub3A_27 = arith.subi %div3A, %sub3A_26 : i32
    %select_n3A = arith.select %and3A, %sub3A_27, %div3A : i32
    %while3A = arith.constant 0 : i32
    %while3A_28 = arith.constant 0 : i32
    %while3A_29 = arith.subi %select_n3A, %while3A : i32
    %while3A_30 = arith.addi %while3A, %while3A_29 : i32
    %while3A_31 = arith.constant 1 : i32
    %while3A_32 = arith.divsi %while3A_29, %while3A_31 : i32
    %while3A_33 = arith.muli %while3A_32, %while3A_31 : i32
    %while3A_34 = arith.addi %while3A, %while3A_33 : i32
    %while3A_35 = arith.constant 1 : i32
    %while3A_36 = scf.for %while3A_131 = %while3A to %while3A_34 step %while3A_35 iter_args(%while3A_132 = %while3A_28) -> (i32)  : i32 {
      %mul3A = arith.constant 16 : i32
      %mul3A_133 = arith.muli %while3A_131, %mul3A : i32
      %add3A_134 = arith.addi %arg1, %mul3A_133 : i32
      %mul3A_135 = arith.constant 128 : i32
      %mul3A_136 = arith.muli %add3A_134, %mul3A_135 : i32
      "tpu.region"() ({
        %run_scoped3A = tpu.sem_alloc : memref<!tpu.dma_semaphore, #tpu.memory_space<semaphore_mem>>
        %dma_start3A = arith.constant 0 : i32
        %dma_start3A_138 = tpu.memref_slice %arg10[%mul3A_136, %dma_start3A] : memref<10112x128xf32, #tpu.memory_space<vmem_shared>> -> memref<128x128xf32, #tpu.memory_space<vmem_shared>>
        %dma_start3A_139 = arith.constant 0 : i32
        %dma_start3A_140 = tpu.memref_slice %arg10[%mul3A_136, %dma_start3A_139] : memref<10112x128xf32, #tpu.memory_space<vmem_shared>> -> memref<128x128xf32, #tpu.memory_space<vmem_shared>>
        tpu.enqueue_dma source(%arg8 : memref<128x128xf32, #tpu.memory_space<vmem>>) target(%dma_start3A_140 : memref<128x128xf32, #tpu.memory_space<vmem_shared>>) target_semaphore(%run_scoped3A : memref<!tpu.dma_semaphore, #tpu.memory_space<semaphore_mem>>)
        %dma_wait3A = arith.constant 0 : i32
        %dma_wait3A_141 = tpu.memref_slice %arg10[%mul3A_136, %dma_wait3A] : memref<10112x128xf32, #tpu.memory_space<vmem_shared>> -> memref<128x128xf32, #tpu.memory_space<vmem_shared>>
        %dma_wait3A_142 = arith.constant 0 : i32
        %dma_wait3A_143 = tpu.memref_slice %arg10[%mul3A_136, %dma_wait3A_142] : memref<10112x128xf32, #tpu.memory_space<vmem_shared>> -> memref<128x128xf32, #tpu.memory_space<vmem_shared>>
        tpu.wait_dma2 semaphore(%run_scoped3A : memref<!tpu.dma_semaphore, #tpu.memory_space<semaphore_mem>>) src(%arg8 : memref<128x128xf32, #tpu.memory_space<vmem>>) dst(%dma_wait3A_143 : memref<128x128xf32, #tpu.memory_space<vmem_shared>>)
        tpu.yield
      }) : () -> ()
      %while3A_137 = arith.constant 0 : i32
      scf.yield %while3A_137 : i32
    }
    %while3A_37 = arith.constant 1 : i32
    %while3A_38 = scf.for %while3A_131 = %while3A_34 to %while3A_30 step %while3A_37 iter_args(%while3A_132 = %while3A_36) -> (i32)  : i32 {
      %mul3A = arith.constant 16 : i32
      %mul3A_133 = arith.muli %while3A_131, %mul3A : i32
      %add3A_134 = arith.addi %arg1, %mul3A_133 : i32
      %mul3A_135 = arith.constant 128 : i32
      %mul3A_136 = arith.muli %add3A_134, %mul3A_135 : i32
      "tpu.region"() ({
        %run_scoped3A = tpu.sem_alloc : memref<!tpu.dma_semaphore, #tpu.memory_space<semaphore_mem>>
        %dma_start3A = arith.constant 0 : i32
        %dma_start3A_138 = tpu.memref_slice %arg10[%mul3A_136, %dma_start3A] : memref<10112x128xf32, #tpu.memory_space<vmem_shared>> -> memref<128x128xf32, #tpu.memory_space<vmem_shared>>
        %dma_start3A_139 = arith.constant 0 : i32
        %dma_start3A_140 = tpu.memref_slice %arg10[%mul3A_136, %dma_start3A_139] : memref<10112x128xf32, #tpu.memory_space<vmem_shared>> -> memref<128x128xf32, #tpu.memory_space<vmem_shared>>
        tpu.enqueue_dma source(%arg8 : memref<128x128xf32, #tpu.memory_space<vmem>>) target(%dma_start3A_140 : memref<128x128xf32, #tpu.memory_space<vmem_shared>>) target_semaphore(%run_scoped3A : memref<!tpu.dma_semaphore, #tpu.memory_space<semaphore_mem>>)
        %dma_wait3A = arith.constant 0 : i32
        %dma_wait3A_141 = tpu.memref_slice %arg10[%mul3A_136, %dma_wait3A] : memref<10112x128xf32, #tpu.memory_space<vmem_shared>> -> memref<128x128xf32, #tpu.memory_space<vmem_shared>>
        %dma_wait3A_142 = arith.constant 0 : i32
        %dma_wait3A_143 = tpu.memref_slice %arg10[%mul3A_136, %dma_wait3A_142] : memref<10112x128xf32, #tpu.memory_space<vmem_shared>> -> memref<128x128xf32, #tpu.memory_space<vmem_shared>>
        tpu.wait_dma2 semaphore(%run_scoped3A : memref<!tpu.dma_semaphore, #tpu.memory_space<semaphore_mem>>) src(%arg8 : memref<128x128xf32, #tpu.memory_space<vmem>>) dst(%dma_wait3A_143 : memref<128x128xf32, #tpu.memory_space<vmem_shared>>)
        tpu.yield
      }) : () -> ()
      %while3A_137 = arith.constant 0 : i32
      scf.yield %while3A_137 : i32
    }
    %barrier3A = arith.constant 0 : index
    tpu.barrier barrier_id(%barrier3A)
    %eq3A = arith.constant 0 : i32
    %eq3A_39 = arith.cmpi eq, %arg0, %eq3A : i32
    %sub3A_40 = arith.constant 32 : i32
    %sub3A_41 = arith.subi %sub3A_40, %arg1 : i32
    %add3A_42 = arith.constant 16 : i32
    %add3A_43 = arith.addi %sub3A_41, %add3A_42 : i32
    %sub3A_44 = arith.constant 1 : i32
    %sub3A_45 = arith.subi %add3A_43, %sub3A_44 : i32
    %jit3A_46 = arith.constant 16 : i32
    %div3A_47 = arith.divsi %sub3A_45, %jit3A_46 : i32
    %sign3A_48 = arith.constant 0 : i32
    %sign3A_49 = arith.cmpi sgt, %sub3A_45, %sign3A_48 : i32
    %sign3A_50 = arith.extui %sign3A_49 : i1 to i32
    %sign3A_51 = arith.constant 0 : i32
    %sign3A_52 = arith.cmpi slt, %sub3A_45, %sign3A_51 : i32
    %sign3A_53 = arith.extui %sign3A_52 : i1 to i32
    %sign3A_54 = arith.subi %sign3A_50, %sign3A_53 : i32
    %sign3A_55 = arith.constant 0 : i32
    %sign3A_56 = arith.cmpi sgt, %jit3A_46, %sign3A_55 : i32
    %sign3A_57 = arith.extui %sign3A_56 : i1 to i32
    %sign3A_58 = arith.constant 0 : i32
    %sign3A_59 = arith.cmpi slt, %jit3A_46, %sign3A_58 : i32
    %sign3A_60 = arith.extui %sign3A_59 : i1 to i32
    %sign3A_61 = arith.subi %sign3A_57, %sign3A_60 : i32
    %ne3A_62 = arith.cmpi ne, %sign3A_54, %sign3A_61 : i32
    %rem3A_63 = arith.remsi %sub3A_45, %jit3A_46 : i32
    %ne3A_64 = arith.constant 0 : i32
    %ne3A_65 = arith.cmpi ne, %rem3A_63, %ne3A_64 : i32
    %and3A_66 = arith.andi %ne3A_62, %ne3A_65 : i1
    %sub3A_67 = arith.constant 1 : i32
    %sub3A_68 = arith.subi %div3A_47, %sub3A_67 : i32
    %select_n3A_69 = arith.select %and3A_66, %sub3A_68, %div3A_47 : i32
    %sub3A_70 = arith.constant 32 : i32
    %sub3A_71 = arith.subi %sub3A_70, %arg1 : i32
    %add3A_72 = arith.constant 16 : i32
    %add3A_73 = arith.addi %sub3A_71, %add3A_72 : i32
    %sub3A_74 = arith.constant 1 : i32
    %sub3A_75 = arith.subi %add3A_73, %sub3A_74 : i32
    %jit3A_76 = arith.constant 16 : i32
    %div3A_77 = arith.divsi %sub3A_75, %jit3A_76 : i32
    %sign3A_78 = arith.constant 0 : i32
    %sign3A_79 = arith.cmpi sgt, %sub3A_75, %sign3A_78 : i32
    %sign3A_80 = arith.extui %sign3A_79 : i1 to i32
    %sign3A_81 = arith.constant 0 : i32
    %sign3A_82 = arith.cmpi slt, %sub3A_75, %sign3A_81 : i32
    %sign3A_83 = arith.extui %sign3A_82 : i1 to i32
    %sign3A_84 = arith.subi %sign3A_80, %sign3A_83 : i32
    %sign3A_85 = arith.constant 0 : i32
    %sign3A_86 = arith.cmpi sgt, %jit3A_76, %sign3A_85 : i32
    %sign3A_87 = arith.extui %sign3A_86 : i1 to i32
    %sign3A_88 = arith.constant 0 : i32
    %sign3A_89 = arith.cmpi slt, %jit3A_76, %sign3A_88 : i32
    %sign3A_90 = arith.extui %sign3A_89 : i1 to i32
    %sign3A_91 = arith.subi %sign3A_87, %sign3A_90 : i32
    %ne3A_92 = arith.cmpi ne, %sign3A_84, %sign3A_91 : i32
    %rem3A_93 = arith.remsi %sub3A_75, %jit3A_76 : i32
    %ne3A_94 = arith.constant 0 : i32
    %ne3A_95 = arith.cmpi ne, %rem3A_93, %ne3A_94 : i32
    %and3A_96 = arith.andi %ne3A_92, %ne3A_95 : i1
    %sub3A_97 = arith.constant 1 : i32
    %sub3A_98 = arith.subi %div3A_77, %sub3A_97 : i32
    %select_n3A_99 = arith.select %and3A_96, %sub3A_98, %div3A_77 : i32
    %select_n3A_100 = arith.select %eq3A_39, %select_n3A_69, %select_n3A_99 : i32
    %eq3A_101 = arith.constant 0 : i32
    %eq3A_102 = arith.cmpi eq, %arg0, %eq3A_101 : i32
    %add3A_103 = arith.constant 32 : i32
    %add3A_104 = arith.addi %add3A_103, %arg1 : i32
    %select_n3A_105 = arith.select %eq3A_102, %arg1, %add3A_104 : i32
    %while3A_106 = arith.constant 0 : i32
    %while3A_107 = arith.constant 0 : i32
    %while3A_108 = arith.subi %select_n3A_100, %while3A_106 : i32
    %while3A_109 = arith.addi %while3A_106, %while3A_108 : i32
    %while3A_110 = arith.constant 1 : i32
    %while3A_111 = arith.divsi %while3A_108, %while3A_110 : i32
    %while3A_112 = arith.muli %while3A_111, %while3A_110 : i32
    %while3A_113 = arith.addi %while3A_106, %while3A_112 : i32
    %while3A_114 = arith.constant 1 : i32
    %while3A_115 = scf.for %while3A_131 = %while3A_106 to %while3A_113 step %while3A_114 iter_args(%while3A_132 = %while3A_107) -> (i32)  : i32 {
      %mul3A = arith.constant 16 : i32
      %mul3A_133 = arith.muli %while3A_131, %mul3A : i32
      %add3A_134 = arith.addi %select_n3A_105, %mul3A_133 : i32
      %dma_start3A = arith.constant 0 : i32
      %dma_start3A_135 = tpu.memref_slice %arg3[%add3A_134, %dma_start3A] : memref<64x5120xi32, #tpu.memory_space<hbm>> -> memref<1x5120xi32, #tpu.memory_space<hbm>>
      %dma_start3A_136 = tpu.memref_squeeze %dma_start3A_135 : memref<1x5120xi32, #tpu.memory_space<hbm>> -> memref<5120xi32, #tpu.memory_space<hbm>>
      %dma_start3A_137 = arith.constant 0 : i32
      %dma_start3A_138 = tpu.memref_slice %arg3[%add3A_134, %dma_start3A_137] : memref<64x5120xi32, #tpu.memory_space<hbm>> -> memref<1x5120xi32, #tpu.memory_space<hbm>>
      %dma_start3A_139 = tpu.memref_squeeze %dma_start3A_138 : memref<1x5120xi32, #tpu.memory_space<hbm>> -> memref<5120xi32, #tpu.memory_space<hbm>>
      tpu.enqueue_dma source(%dma_start3A_139 : memref<5120xi32, #tpu.memory_space<hbm>>) target(%arg6 : memref<5120xi32, #tpu.memory_space<vmem>>) target_semaphore(%arg13 : memref<!tpu.dma_semaphore, #tpu.memory_space<semaphore_mem>>)
      %dma_start3A_140 = arith.constant 0 : i32
      %dma_start3A_141 = arith.constant 0 : i32
      %dma_start3A_142 = tpu.memref_slice %arg4[%add3A_134, %dma_start3A_140, %dma_start3A_141] : memref<64x40x128xi32, #tpu.memory_space<hbm>> -> memref<1x40x128xi32, #tpu.memory_space<hbm>>
      %dma_start3A_143 = tpu.memref_squeeze %dma_start3A_142 : memref<1x40x128xi32, #tpu.memory_space<hbm>> -> memref<40x128xi32, #tpu.memory_space<hbm>>
      %dma_start3A_144 = arith.constant 0 : i32
      %dma_start3A_145 = arith.constant 0 : i32
      %dma_start3A_146 = tpu.memref_slice %arg4[%add3A_134, %dma_start3A_144, %dma_start3A_145] : memref<64x40x128xi32, #tpu.memory_space<hbm>> -> memref<1x40x128xi32, #tpu.memory_space<hbm>>
      %dma_start3A_147 = tpu.memref_squeeze %dma_start3A_146 : memref<1x40x128xi32, #tpu.memory_space<hbm>> -> memref<40x128xi32, #tpu.memory_space<hbm>>
      tpu.enqueue_dma source(%dma_start3A_147 : memref<40x128xi32, #tpu.memory_space<hbm>>) target(%arg7 : memref<40x128xi32, #tpu.memory_space<vmem>>) target_semaphore(%arg13 : memref<!tpu.dma_semaphore, #tpu.memory_space<semaphore_mem>>)
      %dma_wait3A = arith.constant 0 : i32
      %dma_wait3A_148 = arith.constant 0 : i32
      %dma_wait3A_149 = tpu.memref_slice %arg3[%dma_wait3A, %dma_wait3A_148] : memref<64x5120xi32, #tpu.memory_space<hbm>> -> memref<1x5120xi32, #tpu.memory_space<hbm>>
      %dma_wait3A_150 = tpu.memref_squeeze %dma_wait3A_149 : memref<1x5120xi32, #tpu.memory_space<hbm>> -> memref<5120xi32, #tpu.memory_space<hbm>>
      %dma_wait3A_151 = arith.constant 0 : i32
      %dma_wait3A_152 = tpu.memref_slice %arg3[%dma_wait3A, %dma_wait3A_151] : memref<64x5120xi32, #tpu.memory_space<hbm>> -> memref<1x5120xi32, #tpu.memory_space<hbm>>
      %dma_wait3A_153 = tpu.memref_squeeze %dma_wait3A_152 : memref<1x5120xi32, #tpu.memory_space<hbm>> -> memref<5120xi32, #tpu.memory_space<hbm>>
      tpu.wait_dma2 semaphore(%arg13 : memref<!tpu.dma_semaphore, #tpu.memory_space<semaphore_mem>>) src(%dma_wait3A_153 : memref<5120xi32, #tpu.memory_space<hbm>>) dst(%arg6 : memref<5120xi32, #tpu.memory_space<vmem>>)
      %dma_wait3A_154 = arith.constant 0 : i32
      %dma_wait3A_155 = arith.constant 0 : i32
      %dma_wait3A_156 = arith.constant 0 : i32
      %dma_wait3A_157 = tpu.memref_slice %arg4[%dma_wait3A_154, %dma_wait3A_155, %dma_wait3A_156] : memref<64x40x128xi32, #tpu.memory_space<hbm>> -> memref<1x40x128xi32, #tpu.memory_space<hbm>>
      %dma_wait3A_158 = tpu.memref_squeeze %dma_wait3A_157 : memref<1x40x128xi32, #tpu.memory_space<hbm>> -> memref<40x128xi32, #tpu.memory_space<hbm>>
      %dma_wait3A_159 = arith.constant 0 : i32
      %dma_wait3A_160 = arith.constant 0 : i32
      %dma_wait3A_161 = tpu.memref_slice %arg4[%dma_wait3A_154, %dma_wait3A_159, %dma_wait3A_160] : memref<64x40x128xi32, #tpu.memory_space<hbm>> -> memref<1x40x128xi32, #tpu.memory_space<hbm>>
      %dma_wait3A_162 = tpu.memref_squeeze %dma_wait3A_161 : memref<1x40x128xi32, #tpu.memory_space<hbm>> -> memref<40x128xi32, #tpu.memory_space<hbm>>
      tpu.wait_dma2 semaphore(%arg13 : memref<!tpu.dma_semaphore, #tpu.memory_space<semaphore_mem>>) src(%dma_wait3A_162 : memref<40x128xi32, #tpu.memory_space<hbm>>) dst(%arg7 : memref<40x128xi32, #tpu.memory_space<vmem>>)
      %dma_start3A_163 = arith.constant 0 : i32
      %dma_start3A_164 = tpu.memref_slice %arg6[%dma_start3A_163] : memref<5120xi32, #tpu.memory_space<vmem>> -> memref<128xi32, #tpu.memory_space<vmem>>
      %dma_start3A_165 = arith.constant 0 : i32
      %dma_start3A_166 = arith.constant 0 : i32
      %dma_start3A_167 = tpu.memref_slice %arg2[%dma_start3A_165, %dma_start3A_166] : memref<10000x128xf32, #tpu.memory_space<hbm>> -> memref<10000x128xf32, #tpu.memory_space<hbm>>
      tpu.enqueue_indirect_dma source(%dma_start3A_167 : memref<10000x128xf32, #tpu.memory_space<hbm>>) target(%arg8 : memref<128x128xf32, #tpu.memory_space<vmem>>) offsets(%dma_start3A_164 : memref<128xi32, #tpu.memory_space<vmem>>) semaphore(%arg11 : memref<!tpu.dma_semaphore, #tpu.memory_space<semaphore_mem>>)
      %scan3A_168 = arith.constant 0 : i32
      %scan3A_169 = arith.constant 0 : i32
      %scan3A_170 = arith.constant 20 : i32
      %scan3A_171 = arith.addi %scan3A_169, %scan3A_170 : i32
      %scan3A_172 = arith.constant 1 : i32
      %scan3A_173 = scf.for %scan3A_176 = %scan3A_169 to %scan3A_171 step %scan3A_172 iter_args(%scan3A_177 = %scan3A_168) -> (i32)  : i32 {
        %mul3A_178 = arith.constant 2 : i32
        %mul3A_179 = arith.muli %mul3A_178, %scan3A_176 : i32
        %add3A_180 = arith.constant 1 : i32
        %add3A_181 = arith.addi %mul3A_179, %add3A_180 : i32
        %mul3A_182 = arith.constant 128 : i32
        %mul3A_183 = arith.muli %add3A_181, %mul3A_182 : i32
        %dma_start3A_184 = tpu.memref_slice %arg6[%mul3A_183] : memref<5120xi32, #tpu.memory_space<vmem>> -> memref<128xi32, #tpu.memory_space<vmem>>
        %dma_start3A_185 = arith.constant 0 : i32
        %dma_start3A_186 = arith.constant 0 : i32
        %dma_start3A_187 = tpu.memref_slice %arg2[%dma_start3A_185, %dma_start3A_186] : memref<10000x128xf32, #tpu.memory_space<hbm>> -> memref<10000x128xf32, #tpu.memory_space<hbm>>
        tpu.enqueue_indirect_dma source(%dma_start3A_187 : memref<10000x128xf32, #tpu.memory_space<hbm>>) target(%arg9 : memref<128x128xf32, #tpu.memory_space<vmem>>) offsets(%dma_start3A_184 : memref<128xi32, #tpu.memory_space<vmem>>) semaphore(%arg12 : memref<!tpu.dma_semaphore, #tpu.memory_space<semaphore_mem>>)
        %dma_wait3A_188 = arith.constant 0 : i32
        %dma_wait3A_189 = arith.constant 0 : i32
        %dma_wait3A_190 = tpu.memref_slice %arg2[%dma_wait3A_188, %dma_wait3A_189] : memref<10000x128xf32, #tpu.memory_space<hbm>> -> memref<128x128xf32, #tpu.memory_space<hbm>>
        %dma_wait3A_191 = arith.constant 0 : i32
        %dma_wait3A_192 = arith.constant 0 : i32
        %dma_wait3A_193 = tpu.memref_slice %arg2[%dma_wait3A_191, %dma_wait3A_192] : memref<10000x128xf32, #tpu.memory_space<hbm>> -> memref<128x128xf32, #tpu.memory_space<hbm>>
        tpu.wait_dma2 semaphore(%arg11 : memref<!tpu.dma_semaphore, #tpu.memory_space<semaphore_mem>>) src(%dma_wait3A_193 : memref<128x128xf32, #tpu.memory_space<hbm>>) dst(%arg8 : memref<128x128xf32, #tpu.memory_space<vmem>>)
        "tpu.region"() ({
          %run_scoped3A = tpu.sem_alloc : memref<!tpu.dma_semaphore, #tpu.memory_space<semaphore_mem>>
          %dma_start3A_207 = arith.constant 0 : i32
          %dma_start3A_208 = tpu.memref_slice %arg7[%mul3A_179, %dma_start3A_207] : memref<40x128xi32, #tpu.memory_space<vmem>> -> memref<1x128xi32, #tpu.memory_space<vmem>>
          %dma_start3A_209 = tpu.memref_squeeze %dma_start3A_208 : memref<1x128xi32, #tpu.memory_space<vmem>> -> memref<128xi32, #tpu.memory_space<vmem>>
          %dma_start3A_210 = arith.constant 0 : i32
          %dma_start3A_211 = arith.constant 0 : i32
          %dma_start3A_212 = tpu.memref_slice %arg10[%dma_start3A_210, %dma_start3A_211] : memref<10112x128xf32, #tpu.memory_space<vmem_shared>> -> memref<10112x128xf32, #tpu.memory_space<vmem_shared>>
          tpu.enqueue_indirect_dma source(%arg8 : memref<128x128xf32, #tpu.memory_space<vmem>>) target(%dma_start3A_212 : memref<10112x128xf32, #tpu.memory_space<vmem_shared>>) offsets(%dma_start3A_209 : memref<128xi32, #tpu.memory_space<vmem>>) semaphore(%run_scoped3A : memref<!tpu.dma_semaphore, #tpu.memory_space<semaphore_mem>>) {add = true}
          %dma_wait3A_213 = arith.constant 0 : i32
          %dma_wait3A_214 = tpu.memref_slice %arg7[%mul3A_179, %dma_wait3A_213] : memref<40x128xi32, #tpu.memory_space<vmem>> -> memref<1x128xi32, #tpu.memory_space<vmem>>
          %dma_wait3A_215 = tpu.memref_squeeze %dma_wait3A_214 : memref<1x128xi32, #tpu.memory_space<vmem>> -> memref<128xi32, #tpu.memory_space<vmem>>
          %dma_wait3A_216 = arith.constant 0 : i32
          %dma_wait3A_217 = arith.constant 0 : i32
          %dma_wait3A_218 = tpu.memref_slice %arg10[%dma_wait3A_216, %dma_wait3A_217] : memref<10112x128xf32, #tpu.memory_space<vmem_shared>> -> memref<10112x128xf32, #tpu.memory_space<vmem_shared>>
          tpu.wait_indirect_dma semaphore(%run_scoped3A : memref<!tpu.dma_semaphore, #tpu.memory_space<semaphore_mem>>) src(%arg8 : memref<128x128xf32, #tpu.memory_space<vmem>>) dst(%dma_wait3A_218 : memref<10112x128xf32, #tpu.memory_space<vmem_shared>>)
          tpu.yield
        }) : () -> ()
        %add3A_194 = arith.constant 2 : i32
        %add3A_195 = arith.addi %mul3A_179, %add3A_194 : i32
        %lt3A = arith.constant 40 : i32
        %lt3A_196 = arith.cmpi slt, %add3A_195, %lt3A : i32
        %convert_element_type3A = arith.extui %lt3A_196 : i1 to i32
        %cond3A = arith.constant 0 : i32
        %cond3A_197 = arith.cmpi ne, %convert_element_type3A, %cond3A : i32
        scf.if %cond3A_197 {
          %add3A_207 = arith.constant 2 : i32
          %add3A_208 = arith.addi %mul3A_179, %add3A_207 : i32
          %mul3A_209 = arith.constant 128 : i32
          %mul3A_210 = arith.muli %add3A_208, %mul3A_209 : i32
          %dma_start3A_211 = tpu.memref_slice %arg6[%mul3A_210] : memref<5120xi32, #tpu.memory_space<vmem>> -> memref<128xi32, #tpu.memory_space<vmem>>
          %dma_start3A_212 = arith.constant 0 : i32
          %dma_start3A_213 = arith.constant 0 : i32
          %dma_start3A_214 = tpu.memref_slice %arg2[%dma_start3A_212, %dma_start3A_213] : memref<10000x128xf32, #tpu.memory_space<hbm>> -> memref<10000x128xf32, #tpu.memory_space<hbm>>
          tpu.enqueue_indirect_dma source(%dma_start3A_214 : memref<10000x128xf32, #tpu.memory_space<hbm>>) target(%arg8 : memref<128x128xf32, #tpu.memory_space<vmem>>) offsets(%dma_start3A_211 : memref<128xi32, #tpu.memory_space<vmem>>) semaphore(%arg11 : memref<!tpu.dma_semaphore, #tpu.memory_space<semaphore_mem>>)
        } else {
        }
        %dma_wait3A_198 = arith.constant 0 : i32
        %dma_wait3A_199 = arith.constant 0 : i32
        %dma_wait3A_200 = tpu.memref_slice %arg2[%dma_wait3A_198, %dma_wait3A_199] : memref<10000x128xf32, #tpu.memory_space<hbm>> -> memref<128x128xf32, #tpu.memory_space<hbm>>
        %dma_wait3A_201 = arith.constant 0 : i32
        %dma_wait3A_202 = arith.constant 0 : i32
        %dma_wait3A_203 = tpu.memref_slice %arg2[%dma_wait3A_201, %dma_wait3A_202] : memref<10000x128xf32, #tpu.memory_space<hbm>> -> memref<128x128xf32, #tpu.memory_space<hbm>>
        tpu.wait_dma2 semaphore(%arg12 : memref<!tpu.dma_semaphore, #tpu.memory_space<semaphore_mem>>) src(%dma_wait3A_203 : memref<128x128xf32, #tpu.memory_space<hbm>>) dst(%arg9 : memref<128x128xf32, #tpu.memory_space<vmem>>)
        %add3A_204 = arith.constant 1 : i32
        %add3A_205 = arith.addi %mul3A_179, %add3A_204 : i32
        "tpu.region"() ({
          %run_scoped3A = tpu.sem_alloc : memref<!tpu.dma_semaphore, #tpu.memory_space<semaphore_mem>>
          %dma_start3A_207 = arith.constant 0 : i32
          %dma_start3A_208 = tpu.memref_slice %arg7[%add3A_205, %dma_start3A_207] : memref<40x128xi32, #tpu.memory_space<vmem>> -> memref<1x128xi32, #tpu.memory_space<vmem>>
          %dma_start3A_209 = tpu.memref_squeeze %dma_start3A_208 : memref<1x128xi32, #tpu.memory_space<vmem>> -> memref<128xi32, #tpu.memory_space<vmem>>
          %dma_start3A_210 = arith.constant 0 : i32
          %dma_start3A_211 = arith.constant 0 : i32
          %dma_start3A_212 = tpu.memref_slice %arg10[%dma_start3A_210, %dma_start3A_211] : memref<10112x128xf32, #tpu.memory_space<vmem_shared>> -> memref<10112x128xf32, #tpu.memory_space<vmem_shared>>
          tpu.enqueue_indirect_dma source(%arg9 : memref<128x128xf32, #tpu.memory_space<vmem>>) target(%dma_start3A_212 : memref<10112x128xf32, #tpu.memory_space<vmem_shared>>) offsets(%dma_start3A_209 : memref<128xi32, #tpu.memory_space<vmem>>) semaphore(%run_scoped3A : memref<!tpu.dma_semaphore, #tpu.memory_space<semaphore_mem>>) {add = true}
          %dma_wait3A_213 = arith.constant 0 : i32
          %dma_wait3A_214 = tpu.memref_slice %arg7[%add3A_205, %dma_wait3A_213] : memref<40x128xi32, #tpu.memory_space<vmem>> -> memref<1x128xi32, #tpu.memory_space<vmem>>
          %dma_wait3A_215 = tpu.memref_squeeze %dma_wait3A_214 : memref<1x128xi32, #tpu.memory_space<vmem>> -> memref<128xi32, #tpu.memory_space<vmem>>
          %dma_wait3A_216 = arith.constant 0 : i32
          %dma_wait3A_217 = arith.constant 0 : i32
          %dma_wait3A_218 = tpu.memref_slice %arg10[%dma_wait3A_216, %dma_wait3A_217] : memref<10112x128xf32, #tpu.memory_space<vmem_shared>> -> memref<10112x128xf32, #tpu.memory_space<vmem_shared>>
          tpu.wait_indirect_dma semaphore(%run_scoped3A : memref<!tpu.dma_semaphore, #tpu.memory_space<semaphore_mem>>) src(%arg9 : memref<128x128xf32, #tpu.memory_space<vmem>>) dst(%dma_wait3A_218 : memref<10112x128xf32, #tpu.memory_space<vmem_shared>>)
          tpu.yield
        }) : () -> ()
        %scan3A_206 = arith.constant 0 : i32
        scf.yield %scan3A_206 : i32
      }
      %scan3A_174 = arith.constant 20 : i32
      %while3A_175 = arith.constant 0 : i32
      scf.yield %while3A_175 : i32
    }
    %while3A_116 = arith.constant 1 : i32
    %while3A_117 = scf.for %while3A_131 = %while3A_113 to %while3A_109 step %while3A_116 iter_args(%while3A_132 = %while3A_115) -> (i32)  : i32 {
      %mul3A = arith.constant 16 : i32
      %mul3A_133 = arith.muli %while3A_131, %mul3A : i32
      %add3A_134 = arith.addi %select_n3A_105, %mul3A_133 : i32
      %dma_start3A = arith.constant 0 : i32
      %dma_start3A_135 = tpu.memref_slice %arg3[%add3A_134, %dma_start3A] : memref<64x5120xi32, #tpu.memory_space<hbm>> -> memref<1x5120xi32, #tpu.memory_space<hbm>>
      %dma_start3A_136 = tpu.memref_squeeze %dma_start3A_135 : memref<1x5120xi32, #tpu.memory_space<hbm>> -> memref<5120xi32, #tpu.memory_space<hbm>>
      %dma_start3A_137 = arith.constant 0 : i32
      %dma_start3A_138 = tpu.memref_slice %arg3[%add3A_134, %dma_start3A_137] : memref<64x5120xi32, #tpu.memory_space<hbm>> -> memref<1x5120xi32, #tpu.memory_space<hbm>>
      %dma_start3A_139 = tpu.memref_squeeze %dma_start3A_138 : memref<1x5120xi32, #tpu.memory_space<hbm>> -> memref<5120xi32, #tpu.memory_space<hbm>>
      tpu.enqueue_dma source(%dma_start3A_139 : memref<5120xi32, #tpu.memory_space<hbm>>) target(%arg6 : memref<5120xi32, #tpu.memory_space<vmem>>) target_semaphore(%arg13 : memref<!tpu.dma_semaphore, #tpu.memory_space<semaphore_mem>>)
      %dma_start3A_140 = arith.constant 0 : i32
      %dma_start3A_141 = arith.constant 0 : i32
      %dma_start3A_142 = tpu.memref_slice %arg4[%add3A_134, %dma_start3A_140, %dma_start3A_141] : memref<64x40x128xi32, #tpu.memory_space<hbm>> -> memref<1x40x128xi32, #tpu.memory_space<hbm>>
      %dma_start3A_143 = tpu.memref_squeeze %dma_start3A_142 : memref<1x40x128xi32, #tpu.memory_space<hbm>> -> memref<40x128xi32, #tpu.memory_space<hbm>>
      %dma_start3A_144 = arith.constant 0 : i32
      %dma_start3A_145 = arith.constant 0 : i32
      %dma_start3A_146 = tpu.memref_slice %arg4[%add3A_134, %dma_start3A_144, %dma_start3A_145] : memref<64x40x128xi32, #tpu.memory_space<hbm>> -> memref<1x40x128xi32, #tpu.memory_space<hbm>>
      %dma_start3A_147 = tpu.memref_squeeze %dma_start3A_146 : memref<1x40x128xi32, #tpu.memory_space<hbm>> -> memref<40x128xi32, #tpu.memory_space<hbm>>
      tpu.enqueue_dma source(%dma_start3A_147 : memref<40x128xi32, #tpu.memory_space<hbm>>) target(%arg7 : memref<40x128xi32, #tpu.memory_space<vmem>>) target_semaphore(%arg13 : memref<!tpu.dma_semaphore, #tpu.memory_space<semaphore_mem>>)
      %dma_wait3A = arith.constant 0 : i32
      %dma_wait3A_148 = arith.constant 0 : i32
      %dma_wait3A_149 = tpu.memref_slice %arg3[%dma_wait3A, %dma_wait3A_148] : memref<64x5120xi32, #tpu.memory_space<hbm>> -> memref<1x5120xi32, #tpu.memory_space<hbm>>
      %dma_wait3A_150 = tpu.memref_squeeze %dma_wait3A_149 : memref<1x5120xi32, #tpu.memory_space<hbm>> -> memref<5120xi32, #tpu.memory_space<hbm>>
      %dma_wait3A_151 = arith.constant 0 : i32
      %dma_wait3A_152 = tpu.memref_slice %arg3[%dma_wait3A, %dma_wait3A_151] : memref<64x5120xi32, #tpu.memory_space<hbm>> -> memref<1x5120xi32, #tpu.memory_space<hbm>>
      %dma_wait3A_153 = tpu.memref_squeeze %dma_wait3A_152 : memref<1x5120xi32, #tpu.memory_space<hbm>> -> memref<5120xi32, #tpu.memory_space<hbm>>
      tpu.wait_dma2 semaphore(%arg13 : memref<!tpu.dma_semaphore, #tpu.memory_space<semaphore_mem>>) src(%dma_wait3A_153 : memref<5120xi32, #tpu.memory_space<hbm>>) dst(%arg6 : memref<5120xi32, #tpu.memory_space<vmem>>)
      %dma_wait3A_154 = arith.constant 0 : i32
      %dma_wait3A_155 = arith.constant 0 : i32
      %dma_wait3A_156 = arith.constant 0 : i32
      %dma_wait3A_157 = tpu.memref_slice %arg4[%dma_wait3A_154, %dma_wait3A_155, %dma_wait3A_156] : memref<64x40x128xi32, #tpu.memory_space<hbm>> -> memref<1x40x128xi32, #tpu.memory_space<hbm>>
      %dma_wait3A_158 = tpu.memref_squeeze %dma_wait3A_157 : memref<1x40x128xi32, #tpu.memory_space<hbm>> -> memref<40x128xi32, #tpu.memory_space<hbm>>
      %dma_wait3A_159 = arith.constant 0 : i32
      %dma_wait3A_160 = arith.constant 0 : i32
      %dma_wait3A_161 = tpu.memref_slice %arg4[%dma_wait3A_154, %dma_wait3A_159, %dma_wait3A_160] : memref<64x40x128xi32, #tpu.memory_space<hbm>> -> memref<1x40x128xi32, #tpu.memory_space<hbm>>
      %dma_wait3A_162 = tpu.memref_squeeze %dma_wait3A_161 : memref<1x40x128xi32, #tpu.memory_space<hbm>> -> memref<40x128xi32, #tpu.memory_space<hbm>>
      tpu.wait_dma2 semaphore(%arg13 : memref<!tpu.dma_semaphore, #tpu.memory_space<semaphore_mem>>) src(%dma_wait3A_162 : memref<40x128xi32, #tpu.memory_space<hbm>>) dst(%arg7 : memref<40x128xi32, #tpu.memory_space<vmem>>)
      %dma_start3A_163 = arith.constant 0 : i32
      %dma_start3A_164 = tpu.memref_slice %arg6[%dma_start3A_163] : memref<5120xi32, #tpu.memory_space<vmem>> -> memref<128xi32, #tpu.memory_space<vmem>>
      %dma_start3A_165 = arith.constant 0 : i32
      %dma_start3A_166 = arith.constant 0 : i32
      %dma_start3A_167 = tpu.memref_slice %arg2[%dma_start3A_165, %dma_start3A_166] : memref<10000x128xf32, #tpu.memory_space<hbm>> -> memref<10000x128xf32, #tpu.memory_space<hbm>>
      tpu.enqueue_indirect_dma source(%dma_start3A_167 : memref<10000x128xf32, #tpu.memory_space<hbm>>) target(%arg8 : memref<128x128xf32, #tpu.memory_space<vmem>>) offsets(%dma_start3A_164 : memref<128xi32, #tpu.memory_space<vmem>>) semaphore(%arg11 : memref<!tpu.dma_semaphore, #tpu.memory_space<semaphore_mem>>)
      %scan3A_168 = arith.constant 0 : i32
      %scan3A_169 = arith.constant 0 : i32
      %scan3A_170 = arith.constant 20 : i32
      %scan3A_171 = arith.addi %scan3A_169, %scan3A_170 : i32
      %scan3A_172 = arith.constant 1 : i32
      %scan3A_173 = scf.for %scan3A_176 = %scan3A_169 to %scan3A_171 step %scan3A_172 iter_args(%scan3A_177 = %scan3A_168) -> (i32)  : i32 {
        %mul3A_178 = arith.constant 2 : i32
        %mul3A_179 = arith.muli %mul3A_178, %scan3A_176 : i32
        %add3A_180 = arith.constant 1 : i32
        %add3A_181 = arith.addi %mul3A_179, %add3A_180 : i32
        %mul3A_182 = arith.constant 128 : i32
        %mul3A_183 = arith.muli %add3A_181, %mul3A_182 : i32
        %dma_start3A_184 = tpu.memref_slice %arg6[%mul3A_183] : memref<5120xi32, #tpu.memory_space<vmem>> -> memref<128xi32, #tpu.memory_space<vmem>>
        %dma_start3A_185 = arith.constant 0 : i32
        %dma_start3A_186 = arith.constant 0 : i32
        %dma_start3A_187 = tpu.memref_slice %arg2[%dma_start3A_185, %dma_start3A_186] : memref<10000x128xf32, #tpu.memory_space<hbm>> -> memref<10000x128xf32, #tpu.memory_space<hbm>>
        tpu.enqueue_indirect_dma source(%dma_start3A_187 : memref<10000x128xf32, #tpu.memory_space<hbm>>) target(%arg9 : memref<128x128xf32, #tpu.memory_space<vmem>>) offsets(%dma_start3A_184 : memref<128xi32, #tpu.memory_space<vmem>>) semaphore(%arg12 : memref<!tpu.dma_semaphore, #tpu.memory_space<semaphore_mem>>)
        %dma_wait3A_188 = arith.constant 0 : i32
        %dma_wait3A_189 = arith.constant 0 : i32
        %dma_wait3A_190 = tpu.memref_slice %arg2[%dma_wait3A_188, %dma_wait3A_189] : memref<10000x128xf32, #tpu.memory_space<hbm>> -> memref<128x128xf32, #tpu.memory_space<hbm>>
        %dma_wait3A_191 = arith.constant 0 : i32
        %dma_wait3A_192 = arith.constant 0 : i32
        %dma_wait3A_193 = tpu.memref_slice %arg2[%dma_wait3A_191, %dma_wait3A_192] : memref<10000x128xf32, #tpu.memory_space<hbm>> -> memref<128x128xf32, #tpu.memory_space<hbm>>
        tpu.wait_dma2 semaphore(%arg11 : memref<!tpu.dma_semaphore, #tpu.memory_space<semaphore_mem>>) src(%dma_wait3A_193 : memref<128x128xf32, #tpu.memory_space<hbm>>) dst(%arg8 : memref<128x128xf32, #tpu.memory_space<vmem>>)
        "tpu.region"() ({
          %run_scoped3A = tpu.sem_alloc : memref<!tpu.dma_semaphore, #tpu.memory_space<semaphore_mem>>
          %dma_start3A_207 = arith.constant 0 : i32
          %dma_start3A_208 = tpu.memref_slice %arg7[%mul3A_179, %dma_start3A_207] : memref<40x128xi32, #tpu.memory_space<vmem>> -> memref<1x128xi32, #tpu.memory_space<vmem>>
          %dma_start3A_209 = tpu.memref_squeeze %dma_start3A_208 : memref<1x128xi32, #tpu.memory_space<vmem>> -> memref<128xi32, #tpu.memory_space<vmem>>
          %dma_start3A_210 = arith.constant 0 : i32
          %dma_start3A_211 = arith.constant 0 : i32
          %dma_start3A_212 = tpu.memref_slice %arg10[%dma_start3A_210, %dma_start3A_211] : memref<10112x128xf32, #tpu.memory_space<vmem_shared>> -> memref<10112x128xf32, #tpu.memory_space<vmem_shared>>
          tpu.enqueue_indirect_dma source(%arg8 : memref<128x128xf32, #tpu.memory_space<vmem>>) target(%dma_start3A_212 : memref<10112x128xf32, #tpu.memory_space<vmem_shared>>) offsets(%dma_start3A_209 : memref<128xi32, #tpu.memory_space<vmem>>) semaphore(%run_scoped3A : memref<!tpu.dma_semaphore, #tpu.memory_space<semaphore_mem>>) {add = true}
          %dma_wait3A_213 = arith.constant 0 : i32
          %dma_wait3A_214 = tpu.memref_slice %arg7[%mul3A_179, %dma_wait3A_213] : memref<40x128xi32, #tpu.memory_space<vmem>> -> memref<1x128xi32, #tpu.memory_space<vmem>>
          %dma_wait3A_215 = tpu.memref_squeeze %dma_wait3A_214 : memref<1x128xi32, #tpu.memory_space<vmem>> -> memref<128xi32, #tpu.memory_space<vmem>>
          %dma_wait3A_216 = arith.constant 0 : i32
          %dma_wait3A_217 = arith.constant 0 : i32
          %dma_wait3A_218 = tpu.memref_slice %arg10[%dma_wait3A_216, %dma_wait3A_217] : memref<10112x128xf32, #tpu.memory_space<vmem_shared>> -> memref<10112x128xf32, #tpu.memory_space<vmem_shared>>
          tpu.wait_indirect_dma semaphore(%run_scoped3A : memref<!tpu.dma_semaphore, #tpu.memory_space<semaphore_mem>>) src(%arg8 : memref<128x128xf32, #tpu.memory_space<vmem>>) dst(%dma_wait3A_218 : memref<10112x128xf32, #tpu.memory_space<vmem_shared>>)
          tpu.yield
        }) : () -> ()
        %add3A_194 = arith.constant 2 : i32
        %add3A_195 = arith.addi %mul3A_179, %add3A_194 : i32
        %lt3A = arith.constant 40 : i32
        %lt3A_196 = arith.cmpi slt, %add3A_195, %lt3A : i32
        %convert_element_type3A = arith.extui %lt3A_196 : i1 to i32
        %cond3A = arith.constant 0 : i32
        %cond3A_197 = arith.cmpi ne, %convert_element_type3A, %cond3A : i32
        scf.if %cond3A_197 {
          %add3A_207 = arith.constant 2 : i32
          %add3A_208 = arith.addi %mul3A_179, %add3A_207 : i32
          %mul3A_209 = arith.constant 128 : i32
          %mul3A_210 = arith.muli %add3A_208, %mul3A_209 : i32
          %dma_start3A_211 = tpu.memref_slice %arg6[%mul3A_210] : memref<5120xi32, #tpu.memory_space<vmem>> -> memref<128xi32, #tpu.memory_space<vmem>>
          %dma_start3A_212 = arith.constant 0 : i32
          %dma_start3A_213 = arith.constant 0 : i32
          %dma_start3A_214 = tpu.memref_slice %arg2[%dma_start3A_212, %dma_start3A_213] : memref<10000x128xf32, #tpu.memory_space<hbm>> -> memref<10000x128xf32, #tpu.memory_space<hbm>>
          tpu.enqueue_indirect_dma source(%dma_start3A_214 : memref<10000x128xf32, #tpu.memory_space<hbm>>) target(%arg8 : memref<128x128xf32, #tpu.memory_space<vmem>>) offsets(%dma_start3A_211 : memref<128xi32, #tpu.memory_space<vmem>>) semaphore(%arg11 : memref<!tpu.dma_semaphore, #tpu.memory_space<semaphore_mem>>)
        } else {
        }
        %dma_wait3A_198 = arith.constant 0 : i32
        %dma_wait3A_199 = arith.constant 0 : i32
        %dma_wait3A_200 = tpu.memref_slice %arg2[%dma_wait3A_198, %dma_wait3A_199] : memref<10000x128xf32, #tpu.memory_space<hbm>> -> memref<128x128xf32, #tpu.memory_space<hbm>>
        %dma_wait3A_201 = arith.constant 0 : i32
        %dma_wait3A_202 = arith.constant 0 : i32
        %dma_wait3A_203 = tpu.memref_slice %arg2[%dma_wait3A_201, %dma_wait3A_202] : memref<10000x128xf32, #tpu.memory_space<hbm>> -> memref<128x128xf32, #tpu.memory_space<hbm>>
        tpu.wait_dma2 semaphore(%arg12 : memref<!tpu.dma_semaphore, #tpu.memory_space<semaphore_mem>>) src(%dma_wait3A_203 : memref<128x128xf32, #tpu.memory_space<hbm>>) dst(%arg9 : memref<128x128xf32, #tpu.memory_space<vmem>>)
        %add3A_204 = arith.constant 1 : i32
        %add3A_205 = arith.addi %mul3A_179, %add3A_204 : i32
        "tpu.region"() ({
          %run_scoped3A = tpu.sem_alloc : memref<!tpu.dma_semaphore, #tpu.memory_space<semaphore_mem>>
          %dma_start3A_207 = arith.constant 0 : i32
          %dma_start3A_208 = tpu.memref_slice %arg7[%add3A_205, %dma_start3A_207] : memref<40x128xi32, #tpu.memory_space<vmem>> -> memref<1x128xi32, #tpu.memory_space<vmem>>
          %dma_start3A_209 = tpu.memref_squeeze %dma_start3A_208 : memref<1x128xi32, #tpu.memory_space<vmem>> -> memref<128xi32, #tpu.memory_space<vmem>>
          %dma_start3A_210 = arith.constant 0 : i32
          %dma_start3A_211 = arith.constant 0 : i32
          %dma_start3A_212 = tpu.memref_slice %arg10[%dma_start3A_210, %dma_start3A_211] : memref<10112x128xf32, #tpu.memory_space<vmem_shared>> -> memref<10112x128xf32, #tpu.memory_space<vmem_shared>>
          tpu.enqueue_indirect_dma source(%arg9 : memref<128x128xf32, #tpu.memory_space<vmem>>) target(%dma_start3A_212 : memref<10112x128xf32, #tpu.memory_space<vmem_shared>>) offsets(%dma_start3A_209 : memref<128xi32, #tpu.memory_space<vmem>>) semaphore(%run_scoped3A : memref<!tpu.dma_semaphore, #tpu.memory_space<semaphore_mem>>) {add = true}
          %dma_wait3A_213 = arith.constant 0 : i32
          %dma_wait3A_214 = tpu.memref_slice %arg7[%add3A_205, %dma_wait3A_213] : memref<40x128xi32, #tpu.memory_space<vmem>> -> memref<1x128xi32, #tpu.memory_space<vmem>>
          %dma_wait3A_215 = tpu.memref_squeeze %dma_wait3A_214 : memref<1x128xi32, #tpu.memory_space<vmem>> -> memref<128xi32, #tpu.memory_space<vmem>>
          %dma_wait3A_216 = arith.constant 0 : i32
          %dma_wait3A_217 = arith.constant 0 : i32
          %dma_wait3A_218 = tpu.memref_slice %arg10[%dma_wait3A_216, %dma_wait3A_217] : memref<10112x128xf32, #tpu.memory_space<vmem_shared>> -> memref<10112x128xf32, #tpu.memory_space<vmem_shared>>
          tpu.wait_indirect_dma semaphore(%run_scoped3A : memref<!tpu.dma_semaphore, #tpu.memory_space<semaphore_mem>>) src(%arg9 : memref<128x128xf32, #tpu.memory_space<vmem>>) dst(%dma_wait3A_218 : memref<10112x128xf32, #tpu.memory_space<vmem_shared>>)
          tpu.yield
        }) : () -> ()
        %scan3A_206 = arith.constant 0 : i32
        scf.yield %scan3A_206 : i32
      }
      %scan3A_174 = arith.constant 20 : i32
      %while3A_175 = arith.constant 0 : i32
      scf.yield %while3A_175 : i32
    }
    %barrier3A_118 = arith.constant 0 : index
    tpu.barrier barrier_id(%barrier3A_118)
    %while3A_119 = arith.constant 0 : i32
    %while3A_120 = arith.constant 0 : i32
    %while3A_121 = arith.subi %select_n3A, %while3A_119 : i32
    %while3A_122 = arith.addi %while3A_119, %while3A_121 : i32
    %while3A_123 = arith.constant 1 : i32
    %while3A_124 = arith.divsi %while3A_121, %while3A_123 : i32
    %while3A_125 = arith.muli %while3A_124, %while3A_123 : i32
    %while3A_126 = arith.addi %while3A_119, %while3A_125 : i32
    %while3A_127 = arith.constant 1 : i32
    %while3A_128 = scf.for %while3A_131 = %while3A_119 to %while3A_126 step %while3A_127 iter_args(%while3A_132 = %while3A_120) -> (i32)  : i32 {
      %mul3A = arith.constant 16 : i32
      %mul3A_133 = arith.muli %while3A_131, %mul3A : i32
      %add3A_134 = arith.addi %arg1, %mul3A_133 : i32
      %mul3A_135 = arith.constant 128 : i32
      %mul3A_136 = arith.muli %add3A_134, %mul3A_135 : i32
      "tpu.region"() ({
        %run_scoped3A = tpu.sem_alloc : memref<!tpu.dma_semaphore, #tpu.memory_space<semaphore_mem>>
        %dma_start3A = arith.constant 0 : i32
        %dma_start3A_138 = tpu.memref_slice %arg5[%arg0, %mul3A_136, %dma_start3A] : memref<2x10112x128xf32, #tpu.memory_space<hbm>> -> memref<1x128x128xf32, #tpu.memory_space<hbm>>
        %dma_start3A_139 = tpu.memref_squeeze %dma_start3A_138 : memref<1x128x128xf32, #tpu.memory_space<hbm>> -> memref<128x128xf32, #tpu.memory_space<hbm>>
        %dma_start3A_140 = arith.constant 0 : i32
        %dma_start3A_141 = tpu.memref_slice %arg10[%mul3A_136, %dma_start3A_140] : memref<10112x128xf32, #tpu.memory_space<vmem_shared>> -> memref<128x128xf32, #tpu.memory_space<vmem_shared>>
        tpu.enqueue_dma source(%dma_start3A_141 : memref<128x128xf32, #tpu.memory_space<vmem_shared>>) target(%dma_start3A_139 : memref<128x128xf32, #tpu.memory_space<hbm>>) target_semaphore(%run_scoped3A : memref<!tpu.dma_semaphore, #tpu.memory_space<semaphore_mem>>)
        %dma_wait3A = arith.constant 0 : i32
        %dma_wait3A_142 = tpu.memref_slice %arg5[%arg0, %mul3A_136, %dma_wait3A] : memref<2x10112x128xf32, #tpu.memory_space<hbm>> -> memref<1x128x128xf32, #tpu.memory_space<hbm>>
        %dma_wait3A_143 = tpu.memref_squeeze %dma_wait3A_142 : memref<1x128x128xf32, #tpu.memory_space<hbm>> -> memref<128x128xf32, #tpu.memory_space<hbm>>
        %dma_wait3A_144 = arith.constant 0 : i32
        %dma_wait3A_145 = tpu.memref_slice %arg10[%mul3A_136, %dma_wait3A_144] : memref<10112x128xf32, #tpu.memory_space<vmem_shared>> -> memref<128x128xf32, #tpu.memory_space<vmem_shared>>
        tpu.wait_dma2 semaphore(%run_scoped3A : memref<!tpu.dma_semaphore, #tpu.memory_space<semaphore_mem>>) src(%dma_wait3A_145 : memref<128x128xf32, #tpu.memory_space<vmem_shared>>) dst(%dma_wait3A_143 : memref<128x128xf32, #tpu.memory_space<hbm>>)
        tpu.yield
      }) : () -> ()
      %while3A_137 = arith.constant 0 : i32
      scf.yield %while3A_137 : i32
    }
    %while3A_129 = arith.constant 1 : i32
    %while3A_130 = scf.for %while3A_131 = %while3A_126 to %while3A_122 step %while3A_129 iter_args(%while3A_132 = %while3A_128) -> (i32)  : i32 {
      %mul3A = arith.constant 16 : i32
      %mul3A_133 = arith.muli %while3A_131, %mul3A : i32
      %add3A_134 = arith.addi %arg1, %mul3A_133 : i32
      %mul3A_135 = arith.constant 128 : i32
      %mul3A_136 = arith.muli %add3A_134, %mul3A_135 : i32
      "tpu.region"() ({
        %run_scoped3A = tpu.sem_alloc : memref<!tpu.dma_semaphore, #tpu.memory_space<semaphore_mem>>
        %dma_start3A = arith.constant 0 : i32
        %dma_start3A_138 = tpu.memref_slice %arg5[%arg0, %mul3A_136, %dma_start3A] : memref<2x10112x128xf32, #tpu.memory_space<hbm>> -> memref<1x128x128xf32, #tpu.memory_space<hbm>>
        %dma_start3A_139 = tpu.memref_squeeze %dma_start3A_138 : memref<1x128x128xf32, #tpu.memory_space<hbm>> -> memref<128x128xf32, #tpu.memory_space<hbm>>
        %dma_start3A_140 = arith.constant 0 : i32
        %dma_start3A_141 = tpu.memref_slice %arg10[%mul3A_136, %dma_start3A_140] : memref<10112x128xf32, #tpu.memory_space<vmem_shared>> -> memref<128x128xf32, #tpu.memory_space<vmem_shared>>
        tpu.enqueue_dma source(%dma_start3A_141 : memref<128x128xf32, #tpu.memory_space<vmem_shared>>) target(%dma_start3A_139 : memref<128x128xf32, #tpu.memory_space<hbm>>) target_semaphore(%run_scoped3A : memref<!tpu.dma_semaphore, #tpu.memory_space<semaphore_mem>>)
        %dma_wait3A = arith.constant 0 : i32
        %dma_wait3A_142 = tpu.memref_slice %arg5[%arg0, %mul3A_136, %dma_wait3A] : memref<2x10112x128xf32, #tpu.memory_space<hbm>> -> memref<1x128x128xf32, #tpu.memory_space<hbm>>
        %dma_wait3A_143 = tpu.memref_squeeze %dma_wait3A_142 : memref<1x128x128xf32, #tpu.memory_space<hbm>> -> memref<128x128xf32, #tpu.memory_space<hbm>>
        %dma_wait3A_144 = arith.constant 0 : i32
        %dma_wait3A_145 = tpu.memref_slice %arg10[%mul3A_136, %dma_wait3A_144] : memref<10112x128xf32, #tpu.memory_space<vmem_shared>> -> memref<128x128xf32, #tpu.memory_space<vmem_shared>>
        tpu.wait_dma2 semaphore(%run_scoped3A : memref<!tpu.dma_semaphore, #tpu.memory_space<semaphore_mem>>) src(%dma_wait3A_145 : memref<128x128xf32, #tpu.memory_space<vmem_shared>>) dst(%dma_wait3A_143 : memref<128x128xf32, #tpu.memory_space<hbm>>)
        tpu.yield
      }) : () -> ()
      %while3A_137 = arith.constant 0 : i32
      scf.yield %while3A_137 : i32
    }
    return
  }
}

#map = affine_map<(d0, d1) -> (0, 0)>
#map1 = affine_map<(d0, d1) -> (0, 0, 0)>
module attributes {stable_mosaic.version = 14 : i64} {
  func.func @_msg_kernel(%arg0: i32, %arg1: i32, %arg2: memref<10000x128xf32, #tpu.memory_space<hbm>>, %arg3: memref<64x5120xi32, #tpu.memory_space<hbm>>, %arg4: memref<64x40x128xi32, #tpu.memory_space<hbm>>, %arg5: memref<2x10112x128xf32, #tpu.memory_space<hbm>>, %arg6: memref<5120xi32, #tpu.memory_space<vmem>>, %arg7: memref<40x128xi32, #tpu.memory_space<vmem>>, %arg8: memref<128x128xf32, #tpu.memory_space<vmem>>, %arg9: memref<128x128xf32, #tpu.memory_space<vmem>>, %arg10: memref<10112x128xf32, #tpu.memory_space<vmem_shared>>, %arg11: memref<!tpu.dma_semaphore, #tpu.memory_space<semaphore_mem>>, %arg12: memref<!tpu.dma_semaphore, #tpu.memory_space<semaphore_mem>>, %arg13: memref<!tpu.dma_semaphore, #tpu.memory_space<semaphore_mem>>) attributes {dimension_semantics = [#tpu.dimension_semantics<core_parallel>, #tpu.dimension_semantics<subcore_parallel>], iteration_bounds = array<i64: 2, 16>, scalar_prefetch = 0 : i64, scratch_operands = 8 : i64, tpu.core_type = #tpu.core_type<sc_vector_subcore>, window_params = [{transform_indices = #map}, {transform_indices = #map}, {transform_indices = #map1}, {transform_indices = #map1}]} {
    %broadcast_in_dim3A = arith.constant 0.000000e+00 : f32
    %broadcast_in_dim3A_0 = vector.broadcast %broadcast_in_dim3A : f32 to vector<16xf32>
    %scan3A = arith.constant 0 : i32
    %scan3A_1 = arith.constant 0 : i32
    %scan3A_2 = arith.constant 128 : i32
    %scan3A_3 = arith.addi %scan3A_1, %scan3A_2 : i32
    %scan3A_4 = arith.constant 1 : i32
    %scan3A_5 = scf.for %scan3A_131 = %scan3A_1 to %scan3A_3 step %scan3A_4 iter_args(%scan3A_132 = %scan3A) -> (i32)  : i32 {
      %scan3A_133 = arith.constant 0 : i32
      %scan3A_134 = arith.constant 0 : i32
      %scan3A_135 = arith.constant 8 : i32
      %scan3A_136 = arith.addi %scan3A_134, %scan3A_135 : i32
      %scan3A_137 = arith.constant 1 : i32
      %scan3A_138 = scf.for %scan3A_141 = %scan3A_134 to %scan3A_136 step %scan3A_137 iter_args(%scan3A_142 = %scan3A_133) -> (i32)  : i32 {
        %mul3A = arith.constant 16 : i32
        %mul3A_143 = arith.muli %scan3A_141, %mul3A : i32
        %swap3A = arith.index_cast %scan3A_131 : i32 to index
        %swap3A_144 = arith.index_cast %mul3A_143 : i32 to index
        %swap3A_145 = tpu.vector_load %arg8[%swap3A, %swap3A_144] {strides = array<i32>} : memref<128x128xf32, #tpu.memory_space<vmem>>, vector<1x16xf32>,
        %swap3A_146 = vector.shape_cast %swap3A_145 : vector<1x16xf32> to vector<16xf32>
        %swap3A_147 = vector.shape_cast %broadcast_in_dim3A_0 : vector<16xf32> to vector<1x16xf32>
        tpu.vector_store %arg8[%swap3A, %swap3A_144], %swap3A_147 {strides = array<i32>} : memref<128x128xf32, #tpu.memory_space<vmem>>, vector<1x16xf32>,
        %scan3A_148 = arith.constant 0 : i32
        scf.yield %scan3A_148 : i32
      }
      %scan3A_139 = arith.constant 8 : i32
      %scan3A_140 = arith.constant 0 : i32
      scf.yield %scan3A_140 : i32
    }
    %scan3A_6 = arith.constant 128 : i32
    %sub3A = arith.constant 79 : i32
    %sub3A_7 = arith.subi %sub3A, %arg1 : i32
    %add3A = arith.constant 16 : i32
    %add3A_8 = arith.addi %sub3A_7, %add3A : i32
    %sub3A_9 = arith.constant 1 : i32
    %sub3A_10 = arith.subi %add3A_8, %sub3A_9 : i32
    %jit3A = arith.constant 16 : i32
    %div3A = arith.divsi %sub3A_10, %jit3A : i32
    %sign3A = arith.constant 0 : i32
    %sign3A_11 = arith.cmpi sgt, %sub3A_10, %sign3A : i32
    %sign3A_12 = arith.extui %sign3A_11 : i1 to i32
    %sign3A_13 = arith.constant 0 : i32
    %sign3A_14 = arith.cmpi slt, %sub3A_10, %sign3A_13 : i32
    %sign3A_15 = arith.extui %sign3A_14 : i1 to i32
    %sign3A_16 = arith.subi %sign3A_12, %sign3A_15 : i32
    %sign3A_17 = arith.constant 0 : i32
    %sign3A_18 = arith.cmpi sgt, %jit3A, %sign3A_17 : i32
    %sign3A_19 = arith.extui %sign3A_18 : i1 to i32
    %sign3A_20 = arith.constant 0 : i32
    %sign3A_21 = arith.cmpi slt, %jit3A, %sign3A_20 : i32
    %sign3A_22 = arith.extui %sign3A_21 : i1 to i32
    %sign3A_23 = arith.subi %sign3A_19, %sign3A_22 : i32
    %ne3A = arith.cmpi ne, %sign3A_16, %sign3A_23 : i32
    %rem3A = arith.remsi %sub3A_10, %jit3A : i32
    %ne3A_24 = arith.constant 0 : i32
    %ne3A_25 = arith.cmpi ne, %rem3A, %ne3A_24 : i32
    %and3A = arith.andi %ne3A, %ne3A_25 : i1
    %sub3A_26 = arith.constant 1 : i32
    %sub3A_27 = arith.subi %div3A, %sub3A_26 : i32
    %select_n3A = arith.select %and3A, %sub3A_27, %div3A : i32
    %while3A = arith.constant 0 : i32
    %while3A_28 = arith.constant 0 : i32
    %while3A_29 = arith.subi %select_n3A, %while3A : i32
    %while3A_30 = arith.addi %while3A, %while3A_29 : i32
    %while3A_31 = arith.constant 1 : i32
    %while3A_32 = arith.divsi %while3A_29, %while3A_31 : i32
    %while3A_33 = arith.muli %while3A_32, %while3A_31 : i32
    %while3A_34 = arith.addi %while3A, %while3A_33 : i32
    %while3A_35 = arith.constant 1 : i32
    %while3A_36 = scf.for %while3A_131 = %while3A to %while3A_34 step %while3A_35 iter_args(%while3A_132 = %while3A_28) -> (i32)  : i32 {
      %mul3A = arith.constant 16 : i32
      %mul3A_133 = arith.muli %while3A_131, %mul3A : i32
      %add3A_134 = arith.addi %arg1, %mul3A_133 : i32
      %mul3A_135 = arith.constant 128 : i32
      %mul3A_136 = arith.muli %add3A_134, %mul3A_135 : i32
      "tpu.region"() ({
        %run_scoped3A = tpu.sem_alloc : memref<!tpu.dma_semaphore, #tpu.memory_space<semaphore_mem>>
        %dma_start3A = arith.constant 0 : i32
        %dma_start3A_138 = tpu.memref_slice %arg10[%mul3A_136, %dma_start3A] : memref<10112x128xf32, #tpu.memory_space<vmem_shared>> -> memref<128x128xf32, #tpu.memory_space<vmem_shared>>
        %dma_start3A_139 = arith.constant 0 : i32
        %dma_start3A_140 = tpu.memref_slice %arg10[%mul3A_136, %dma_start3A_139] : memref<10112x128xf32, #tpu.memory_space<vmem_shared>> -> memref<128x128xf32, #tpu.memory_space<vmem_shared>>
        tpu.enqueue_dma source(%arg8 : memref<128x128xf32, #tpu.memory_space<vmem>>) target(%dma_start3A_140 : memref<128x128xf32, #tpu.memory_space<vmem_shared>>) target_semaphore(%run_scoped3A : memref<!tpu.dma_semaphore, #tpu.memory_space<semaphore_mem>>)
        %dma_wait3A = arith.constant 0 : i32
        %dma_wait3A_141 = tpu.memref_slice %arg10[%mul3A_136, %dma_wait3A] : memref<10112x128xf32, #tpu.memory_space<vmem_shared>> -> memref<128x128xf32, #tpu.memory_space<vmem_shared>>
        %dma_wait3A_142 = arith.constant 0 : i32
        %dma_wait3A_143 = tpu.memref_slice %arg10[%mul3A_136, %dma_wait3A_142] : memref<10112x128xf32, #tpu.memory_space<vmem_shared>> -> memref<128x128xf32, #tpu.memory_space<vmem_shared>>
        tpu.wait_dma2 semaphore(%run_scoped3A : memref<!tpu.dma_semaphore, #tpu.memory_space<semaphore_mem>>) src(%arg8 : memref<128x128xf32, #tpu.memory_space<vmem>>) dst(%dma_wait3A_143 : memref<128x128xf32, #tpu.memory_space<vmem_shared>>)
        tpu.yield
      }) : () -> ()
      %while3A_137 = arith.constant 0 : i32
      scf.yield %while3A_137 : i32
    }
    %while3A_37 = arith.constant 1 : i32
    %while3A_38 = scf.for %while3A_131 = %while3A_34 to %while3A_30 step %while3A_37 iter_args(%while3A_132 = %while3A_36) -> (i32)  : i32 {
      %mul3A = arith.constant 16 : i32
      %mul3A_133 = arith.muli %while3A_131, %mul3A : i32
      %add3A_134 = arith.addi %arg1, %mul3A_133 : i32
      %mul3A_135 = arith.constant 128 : i32
      %mul3A_136 = arith.muli %add3A_134, %mul3A_135 : i32
      "tpu.region"() ({
        %run_scoped3A = tpu.sem_alloc : memref<!tpu.dma_semaphore, #tpu.memory_space<semaphore_mem>>
        %dma_start3A = arith.constant 0 : i32
        %dma_start3A_138 = tpu.memref_slice %arg10[%mul3A_136, %dma_start3A] : memref<10112x128xf32, #tpu.memory_space<vmem_shared>> -> memref<128x128xf32, #tpu.memory_space<vmem_shared>>
        %dma_start3A_139 = arith.constant 0 : i32
        %dma_start3A_140 = tpu.memref_slice %arg10[%mul3A_136, %dma_start3A_139] : memref<10112x128xf32, #tpu.memory_space<vmem_shared>> -> memref<128x128xf32, #tpu.memory_space<vmem_shared>>
        tpu.enqueue_dma source(%arg8 : memref<128x128xf32, #tpu.memory_space<vmem>>) target(%dma_start3A_140 : memref<128x128xf32, #tpu.memory_space<vmem_shared>>) target_semaphore(%run_scoped3A : memref<!tpu.dma_semaphore, #tpu.memory_space<semaphore_mem>>)
        %dma_wait3A = arith.constant 0 : i32
        %dma_wait3A_141 = tpu.memref_slice %arg10[%mul3A_136, %dma_wait3A] : memref<10112x128xf32, #tpu.memory_space<vmem_shared>> -> memref<128x128xf32, #tpu.memory_space<vmem_shared>>
        %dma_wait3A_142 = arith.constant 0 : i32
        %dma_wait3A_143 = tpu.memref_slice %arg10[%mul3A_136, %dma_wait3A_142] : memref<10112x128xf32, #tpu.memory_space<vmem_shared>> -> memref<128x128xf32, #tpu.memory_space<vmem_shared>>
        tpu.wait_dma2 semaphore(%run_scoped3A : memref<!tpu.dma_semaphore, #tpu.memory_space<semaphore_mem>>) src(%arg8 : memref<128x128xf32, #tpu.memory_space<vmem>>) dst(%dma_wait3A_143 : memref<128x128xf32, #tpu.memory_space<vmem_shared>>)
        tpu.yield
      }) : () -> ()
      %while3A_137 = arith.constant 0 : i32
      scf.yield %while3A_137 : i32
    }
    %barrier3A = arith.constant 0 : index
    tpu.barrier barrier_id(%barrier3A)
    %eq3A = arith.constant 0 : i32
    %eq3A_39 = arith.cmpi eq, %arg0, %eq3A : i32
    %sub3A_40 = arith.constant 32 : i32
    %sub3A_41 = arith.subi %sub3A_40, %arg1 : i32
    %add3A_42 = arith.constant 16 : i32
    %add3A_43 = arith.addi %sub3A_41, %add3A_42 : i32
    %sub3A_44 = arith.constant 1 : i32
    %sub3A_45 = arith.subi %add3A_43, %sub3A_44 : i32
    %jit3A_46 = arith.constant 16 : i32
    %div3A_47 = arith.divsi %sub3A_45, %jit3A_46 : i32
    %sign3A_48 = arith.constant 0 : i32
    %sign3A_49 = arith.cmpi sgt, %sub3A_45, %sign3A_48 : i32
    %sign3A_50 = arith.extui %sign3A_49 : i1 to i32
    %sign3A_51 = arith.constant 0 : i32
    %sign3A_52 = arith.cmpi slt, %sub3A_45, %sign3A_51 : i32
    %sign3A_53 = arith.extui %sign3A_52 : i1 to i32
    %sign3A_54 = arith.subi %sign3A_50, %sign3A_53 : i32
    %sign3A_55 = arith.constant 0 : i32
    %sign3A_56 = arith.cmpi sgt, %jit3A_46, %sign3A_55 : i32
    %sign3A_57 = arith.extui %sign3A_56 : i1 to i32
    %sign3A_58 = arith.constant 0 : i32
    %sign3A_59 = arith.cmpi slt, %jit3A_46, %sign3A_58 : i32
    %sign3A_60 = arith.extui %sign3A_59 : i1 to i32
    %sign3A_61 = arith.subi %sign3A_57, %sign3A_60 : i32
    %ne3A_62 = arith.cmpi ne, %sign3A_54, %sign3A_61 : i32
    %rem3A_63 = arith.remsi %sub3A_45, %jit3A_46 : i32
    %ne3A_64 = arith.constant 0 : i32
    %ne3A_65 = arith.cmpi ne, %rem3A_63, %ne3A_64 : i32
    %and3A_66 = arith.andi %ne3A_62, %ne3A_65 : i1
    %sub3A_67 = arith.constant 1 : i32
    %sub3A_68 = arith.subi %div3A_47, %sub3A_67 : i32
    %select_n3A_69 = arith.select %and3A_66, %sub3A_68, %div3A_47 : i32
    %sub3A_70 = arith.constant 32 : i32
    %sub3A_71 = arith.subi %sub3A_70, %arg1 : i32
    %add3A_72 = arith.constant 16 : i32
    %add3A_73 = arith.addi %sub3A_71, %add3A_72 : i32
    %sub3A_74 = arith.constant 1 : i32
    %sub3A_75 = arith.subi %add3A_73, %sub3A_74 : i32
    %jit3A_76 = arith.constant 16 : i32
    %div3A_77 = arith.divsi %sub3A_75, %jit3A_76 : i32
    %sign3A_78 = arith.constant 0 : i32
    %sign3A_79 = arith.cmpi sgt, %sub3A_75, %sign3A_78 : i32
    %sign3A_80 = arith.extui %sign3A_79 : i1 to i32
    %sign3A_81 = arith.constant 0 : i32
    %sign3A_82 = arith.cmpi slt, %sub3A_75, %sign3A_81 : i32
    %sign3A_83 = arith.extui %sign3A_82 : i1 to i32
    %sign3A_84 = arith.subi %sign3A_80, %sign3A_83 : i32
    %sign3A_85 = arith.constant 0 : i32
    %sign3A_86 = arith.cmpi sgt, %jit3A_76, %sign3A_85 : i32
    %sign3A_87 = arith.extui %sign3A_86 : i1 to i32
    %sign3A_88 = arith.constant 0 : i32
    %sign3A_89 = arith.cmpi slt, %jit3A_76, %sign3A_88 : i32
    %sign3A_90 = arith.extui %sign3A_89 : i1 to i32
    %sign3A_91 = arith.subi %sign3A_87, %sign3A_90 : i32
    %ne3A_92 = arith.cmpi ne, %sign3A_84, %sign3A_91 : i32
    %rem3A_93 = arith.remsi %sub3A_75, %jit3A_76 : i32
    %ne3A_94 = arith.constant 0 : i32
    %ne3A_95 = arith.cmpi ne, %rem3A_93, %ne3A_94 : i32
    %and3A_96 = arith.andi %ne3A_92, %ne3A_95 : i1
    %sub3A_97 = arith.constant 1 : i32
    %sub3A_98 = arith.subi %div3A_77, %sub3A_97 : i32
    %select_n3A_99 = arith.select %and3A_96, %sub3A_98, %div3A_77 : i32
    %select_n3A_100 = arith.select %eq3A_39, %select_n3A_69, %select_n3A_99 : i32
    %eq3A_101 = arith.constant 0 : i32
    %eq3A_102 = arith.cmpi eq, %arg0, %eq3A_101 : i32
    %add3A_103 = arith.constant 32 : i32
    %add3A_104 = arith.addi %add3A_103, %arg1 : i32
    %select_n3A_105 = arith.select %eq3A_102, %arg1, %add3A_104 : i32
    %while3A_106 = arith.constant 0 : i32
    %while3A_107 = arith.constant 0 : i32
    %while3A_108 = arith.subi %select_n3A_100, %while3A_106 : i32
    %while3A_109 = arith.addi %while3A_106, %while3A_108 : i32
    %while3A_110 = arith.constant 1 : i32
    %while3A_111 = arith.divsi %while3A_108, %while3A_110 : i32
    %while3A_112 = arith.muli %while3A_111, %while3A_110 : i32
    %while3A_113 = arith.addi %while3A_106, %while3A_112 : i32
    %while3A_114 = arith.constant 1 : i32
    %while3A_115 = scf.for %while3A_131 = %while3A_106 to %while3A_113 step %while3A_114 iter_args(%while3A_132 = %while3A_107) -> (i32)  : i32 {
      %mul3A = arith.constant 16 : i32
      %mul3A_133 = arith.muli %while3A_131, %mul3A : i32
      %add3A_134 = arith.addi %select_n3A_105, %mul3A_133 : i32
      %dma_start3A = arith.constant 0 : i32
      %dma_start3A_135 = tpu.memref_slice %arg3[%add3A_134, %dma_start3A] : memref<64x5120xi32, #tpu.memory_space<hbm>> -> memref<1x5120xi32, #tpu.memory_space<hbm>>
      %dma_start3A_136 = tpu.memref_squeeze %dma_start3A_135 : memref<1x5120xi32, #tpu.memory_space<hbm>> -> memref<5120xi32, #tpu.memory_space<hbm>>
      %dma_start3A_137 = arith.constant 0 : i32
      %dma_start3A_138 = tpu.memref_slice %arg3[%add3A_134, %dma_start3A_137] : memref<64x5120xi32, #tpu.memory_space<hbm>> -> memref<1x5120xi32, #tpu.memory_space<hbm>>
      %dma_start3A_139 = tpu.memref_squeeze %dma_start3A_138 : memref<1x5120xi32, #tpu.memory_space<hbm>> -> memref<5120xi32, #tpu.memory_space<hbm>>
      tpu.enqueue_dma source(%dma_start3A_139 : memref<5120xi32, #tpu.memory_space<hbm>>) target(%arg6 : memref<5120xi32, #tpu.memory_space<vmem>>) target_semaphore(%arg13 : memref<!tpu.dma_semaphore, #tpu.memory_space<semaphore_mem>>)
      %dma_start3A_140 = arith.constant 0 : i32
      %dma_start3A_141 = arith.constant 0 : i32
      %dma_start3A_142 = tpu.memref_slice %arg4[%add3A_134, %dma_start3A_140, %dma_start3A_141] : memref<64x40x128xi32, #tpu.memory_space<hbm>> -> memref<1x40x128xi32, #tpu.memory_space<hbm>>
      %dma_start3A_143 = tpu.memref_squeeze %dma_start3A_142 : memref<1x40x128xi32, #tpu.memory_space<hbm>> -> memref<40x128xi32, #tpu.memory_space<hbm>>
      %dma_start3A_144 = arith.constant 0 : i32
      %dma_start3A_145 = arith.constant 0 : i32
      %dma_start3A_146 = tpu.memref_slice %arg4[%add3A_134, %dma_start3A_144, %dma_start3A_145] : memref<64x40x128xi32, #tpu.memory_space<hbm>> -> memref<1x40x128xi32, #tpu.memory_space<hbm>>
      %dma_start3A_147 = tpu.memref_squeeze %dma_start3A_146 : memref<1x40x128xi32, #tpu.memory_space<hbm>> -> memref<40x128xi32, #tpu.memory_space<hbm>>
      tpu.enqueue_dma source(%dma_start3A_147 : memref<40x128xi32, #tpu.memory_space<hbm>>) target(%arg7 : memref<40x128xi32, #tpu.memory_space<vmem>>) target_semaphore(%arg13 : memref<!tpu.dma_semaphore, #tpu.memory_space<semaphore_mem>>)
      %dma_wait3A = arith.constant 0 : i32
      %dma_wait3A_148 = arith.constant 0 : i32
      %dma_wait3A_149 = tpu.memref_slice %arg3[%dma_wait3A, %dma_wait3A_148] : memref<64x5120xi32, #tpu.memory_space<hbm>> -> memref<1x5120xi32, #tpu.memory_space<hbm>>
      %dma_wait3A_150 = tpu.memref_squeeze %dma_wait3A_149 : memref<1x5120xi32, #tpu.memory_space<hbm>> -> memref<5120xi32, #tpu.memory_space<hbm>>
      %dma_wait3A_151 = arith.constant 0 : i32
      %dma_wait3A_152 = tpu.memref_slice %arg3[%dma_wait3A, %dma_wait3A_151] : memref<64x5120xi32, #tpu.memory_space<hbm>> -> memref<1x5120xi32, #tpu.memory_space<hbm>>
      %dma_wait3A_153 = tpu.memref_squeeze %dma_wait3A_152 : memref<1x5120xi32, #tpu.memory_space<hbm>> -> memref<5120xi32, #tpu.memory_space<hbm>>
      tpu.wait_dma2 semaphore(%arg13 : memref<!tpu.dma_semaphore, #tpu.memory_space<semaphore_mem>>) src(%dma_wait3A_153 : memref<5120xi32, #tpu.memory_space<hbm>>) dst(%arg6 : memref<5120xi32, #tpu.memory_space<vmem>>)
      %dma_wait3A_154 = arith.constant 0 : i32
      %dma_wait3A_155 = arith.constant 0 : i32
      %dma_wait3A_156 = arith.constant 0 : i32
      %dma_wait3A_157 = tpu.memref_slice %arg4[%dma_wait3A_154, %dma_wait3A_155, %dma_wait3A_156] : memref<64x40x128xi32, #tpu.memory_space<hbm>> -> memref<1x40x128xi32, #tpu.memory_space<hbm>>
      %dma_wait3A_158 = tpu.memref_squeeze %dma_wait3A_157 : memref<1x40x128xi32, #tpu.memory_space<hbm>> -> memref<40x128xi32, #tpu.memory_space<hbm>>
      %dma_wait3A_159 = arith.constant 0 : i32
      %dma_wait3A_160 = arith.constant 0 : i32
      %dma_wait3A_161 = tpu.memref_slice %arg4[%dma_wait3A_154, %dma_wait3A_159, %dma_wait3A_160] : memref<64x40x128xi32, #tpu.memory_space<hbm>> -> memref<1x40x128xi32, #tpu.memory_space<hbm>>
      %dma_wait3A_162 = tpu.memref_squeeze %dma_wait3A_161 : memref<1x40x128xi32, #tpu.memory_space<hbm>> -> memref<40x128xi32, #tpu.memory_space<hbm>>
      tpu.wait_dma2 semaphore(%arg13 : memref<!tpu.dma_semaphore, #tpu.memory_space<semaphore_mem>>) src(%dma_wait3A_162 : memref<40x128xi32, #tpu.memory_space<hbm>>) dst(%arg7 : memref<40x128xi32, #tpu.memory_space<vmem>>)
      %dma_start3A_163 = arith.constant 0 : i32
      %dma_start3A_164 = tpu.memref_slice %arg6[%dma_start3A_163] : memref<5120xi32, #tpu.memory_space<vmem>> -> memref<128xi32, #tpu.memory_space<vmem>>
      %dma_start3A_165 = arith.constant 0 : i32
      %dma_start3A_166 = arith.constant 0 : i32
      %dma_start3A_167 = tpu.memref_slice %arg2[%dma_start3A_165, %dma_start3A_166] : memref<10000x128xf32, #tpu.memory_space<hbm>> -> memref<10000x128xf32, #tpu.memory_space<hbm>>
      tpu.enqueue_indirect_dma source(%dma_start3A_167 : memref<10000x128xf32, #tpu.memory_space<hbm>>) target(%arg8 : memref<128x128xf32, #tpu.memory_space<vmem>>) offsets(%dma_start3A_164 : memref<128xi32, #tpu.memory_space<vmem>>) semaphore(%arg11 : memref<!tpu.dma_semaphore, #tpu.memory_space<semaphore_mem>>)
      %scan3A_168 = arith.constant 0 : i32
      %scan3A_169 = arith.constant 0 : i32
      %scan3A_170 = arith.constant 20 : i32
      %scan3A_171 = arith.addi %scan3A_169, %scan3A_170 : i32
      %scan3A_172 = arith.constant 1 : i32
      %scan3A_173 = scf.for %scan3A_176 = %scan3A_169 to %scan3A_171 step %scan3A_172 iter_args(%scan3A_177 = %scan3A_168) -> (i32)  : i32 {
        %mul3A_178 = arith.constant 2 : i32
        %mul3A_179 = arith.muli %mul3A_178, %scan3A_176 : i32
        %add3A_180 = arith.constant 1 : i32
        %add3A_181 = arith.addi %mul3A_179, %add3A_180 : i32
        %mul3A_182 = arith.constant 128 : i32
        %mul3A_183 = arith.muli %add3A_181, %mul3A_182 : i32
        %dma_start3A_184 = tpu.memref_slice %arg6[%mul3A_183] : memref<5120xi32, #tpu.memory_space<vmem>> -> memref<128xi32, #tpu.memory_space<vmem>>
        %dma_start3A_185 = arith.constant 0 : i32
        %dma_start3A_186 = arith.constant 0 : i32
        %dma_start3A_187 = tpu.memref_slice %arg2[%dma_start3A_185, %dma_start3A_186] : memref<10000x128xf32, #tpu.memory_space<hbm>> -> memref<10000x128xf32, #tpu.memory_space<hbm>>
        tpu.enqueue_indirect_dma source(%dma_start3A_187 : memref<10000x128xf32, #tpu.memory_space<hbm>>) target(%arg9 : memref<128x128xf32, #tpu.memory_space<vmem>>) offsets(%dma_start3A_184 : memref<128xi32, #tpu.memory_space<vmem>>) semaphore(%arg12 : memref<!tpu.dma_semaphore, #tpu.memory_space<semaphore_mem>>)
        %dma_wait3A_188 = arith.constant 0 : i32
        %dma_wait3A_189 = arith.constant 0 : i32
        %dma_wait3A_190 = tpu.memref_slice %arg2[%dma_wait3A_188, %dma_wait3A_189] : memref<10000x128xf32, #tpu.memory_space<hbm>> -> memref<128x128xf32, #tpu.memory_space<hbm>>
        %dma_wait3A_191 = arith.constant 0 : i32
        %dma_wait3A_192 = arith.constant 0 : i32
        %dma_wait3A_193 = tpu.memref_slice %arg2[%dma_wait3A_191, %dma_wait3A_192] : memref<10000x128xf32, #tpu.memory_space<hbm>> -> memref<128x128xf32, #tpu.memory_space<hbm>>
        tpu.wait_dma2 semaphore(%arg11 : memref<!tpu.dma_semaphore, #tpu.memory_space<semaphore_mem>>) src(%dma_wait3A_193 : memref<128x128xf32, #tpu.memory_space<hbm>>) dst(%arg8 : memref<128x128xf32, #tpu.memory_space<vmem>>)
        "tpu.region"() ({
          %run_scoped3A = tpu.sem_alloc : memref<!tpu.dma_semaphore, #tpu.memory_space<semaphore_mem>>
          %dma_start3A_207 = arith.constant 0 : i32
          %dma_start3A_208 = tpu.memref_slice %arg7[%mul3A_179, %dma_start3A_207] : memref<40x128xi32, #tpu.memory_space<vmem>> -> memref<1x128xi32, #tpu.memory_space<vmem>>
          %dma_start3A_209 = tpu.memref_squeeze %dma_start3A_208 : memref<1x128xi32, #tpu.memory_space<vmem>> -> memref<128xi32, #tpu.memory_space<vmem>>
          %dma_start3A_210 = arith.constant 0 : i32
          %dma_start3A_211 = arith.constant 0 : i32
          %dma_start3A_212 = tpu.memref_slice %arg10[%dma_start3A_210, %dma_start3A_211] : memref<10112x128xf32, #tpu.memory_space<vmem_shared>> -> memref<10112x128xf32, #tpu.memory_space<vmem_shared>>
          tpu.enqueue_indirect_dma source(%arg8 : memref<128x128xf32, #tpu.memory_space<vmem>>) target(%dma_start3A_212 : memref<10112x128xf32, #tpu.memory_space<vmem_shared>>) offsets(%dma_start3A_209 : memref<128xi32, #tpu.memory_space<vmem>>) semaphore(%run_scoped3A : memref<!tpu.dma_semaphore, #tpu.memory_space<semaphore_mem>>) {add = true}
          %dma_wait3A_213 = arith.constant 0 : i32
          %dma_wait3A_214 = tpu.memref_slice %arg7[%mul3A_179, %dma_wait3A_213] : memref<40x128xi32, #tpu.memory_space<vmem>> -> memref<1x128xi32, #tpu.memory_space<vmem>>
          %dma_wait3A_215 = tpu.memref_squeeze %dma_wait3A_214 : memref<1x128xi32, #tpu.memory_space<vmem>> -> memref<128xi32, #tpu.memory_space<vmem>>
          %dma_wait3A_216 = arith.constant 0 : i32
          %dma_wait3A_217 = arith.constant 0 : i32
          %dma_wait3A_218 = tpu.memref_slice %arg10[%dma_wait3A_216, %dma_wait3A_217] : memref<10112x128xf32, #tpu.memory_space<vmem_shared>> -> memref<10112x128xf32, #tpu.memory_space<vmem_shared>>
          tpu.wait_indirect_dma semaphore(%run_scoped3A : memref<!tpu.dma_semaphore, #tpu.memory_space<semaphore_mem>>) src(%arg8 : memref<128x128xf32, #tpu.memory_space<vmem>>) dst(%dma_wait3A_218 : memref<10112x128xf32, #tpu.memory_space<vmem_shared>>)
          tpu.yield
        }) : () -> ()
        %add3A_194 = arith.constant 2 : i32
        %add3A_195 = arith.addi %mul3A_179, %add3A_194 : i32
        %lt3A = arith.constant 40 : i32
        %lt3A_196 = arith.cmpi slt, %add3A_195, %lt3A : i32
        %convert_element_type3A = arith.extui %lt3A_196 : i1 to i32
        %cond3A = arith.constant 0 : i32
        %cond3A_197 = arith.cmpi ne, %convert_element_type3A, %cond3A : i32
        scf.if %cond3A_197 {
          %add3A_207 = arith.constant 2 : i32
          %add3A_208 = arith.addi %mul3A_179, %add3A_207 : i32
          %mul3A_209 = arith.constant 128 : i32
          %mul3A_210 = arith.muli %add3A_208, %mul3A_209 : i32
          %dma_start3A_211 = tpu.memref_slice %arg6[%mul3A_210] : memref<5120xi32, #tpu.memory_space<vmem>> -> memref<128xi32, #tpu.memory_space<vmem>>
          %dma_start3A_212 = arith.constant 0 : i32
          %dma_start3A_213 = arith.constant 0 : i32
          %dma_start3A_214 = tpu.memref_slice %arg2[%dma_start3A_212, %dma_start3A_213] : memref<10000x128xf32, #tpu.memory_space<hbm>> -> memref<10000x128xf32, #tpu.memory_space<hbm>>
          tpu.enqueue_indirect_dma source(%dma_start3A_214 : memref<10000x128xf32, #tpu.memory_space<hbm>>) target(%arg8 : memref<128x128xf32, #tpu.memory_space<vmem>>) offsets(%dma_start3A_211 : memref<128xi32, #tpu.memory_space<vmem>>) semaphore(%arg11 : memref<!tpu.dma_semaphore, #tpu.memory_space<semaphore_mem>>)
        } else {
        }
        %dma_wait3A_198 = arith.constant 0 : i32
        %dma_wait3A_199 = arith.constant 0 : i32
        %dma_wait3A_200 = tpu.memref_slice %arg2[%dma_wait3A_198, %dma_wait3A_199] : memref<10000x128xf32, #tpu.memory_space<hbm>> -> memref<128x128xf32, #tpu.memory_space<hbm>>
        %dma_wait3A_201 = arith.constant 0 : i32
        %dma_wait3A_202 = arith.constant 0 : i32
        %dma_wait3A_203 = tpu.memref_slice %arg2[%dma_wait3A_201, %dma_wait3A_202] : memref<10000x128xf32, #tpu.memory_space<hbm>> -> memref<128x128xf32, #tpu.memory_space<hbm>>
        tpu.wait_dma2 semaphore(%arg12 : memref<!tpu.dma_semaphore, #tpu.memory_space<semaphore_mem>>) src(%dma_wait3A_203 : memref<128x128xf32, #tpu.memory_space<hbm>>) dst(%arg9 : memref<128x128xf32, #tpu.memory_space<vmem>>)
        %add3A_204 = arith.constant 1 : i32
        %add3A_205 = arith.addi %mul3A_179, %add3A_204 : i32
        "tpu.region"() ({
          %run_scoped3A = tpu.sem_alloc : memref<!tpu.dma_semaphore, #tpu.memory_space<semaphore_mem>>
          %dma_start3A_207 = arith.constant 0 : i32
          %dma_start3A_208 = tpu.memref_slice %arg7[%add3A_205, %dma_start3A_207] : memref<40x128xi32, #tpu.memory_space<vmem>> -> memref<1x128xi32, #tpu.memory_space<vmem>>
          %dma_start3A_209 = tpu.memref_squeeze %dma_start3A_208 : memref<1x128xi32, #tpu.memory_space<vmem>> -> memref<128xi32, #tpu.memory_space<vmem>>
          %dma_start3A_210 = arith.constant 0 : i32
          %dma_start3A_211 = arith.constant 0 : i32
          %dma_start3A_212 = tpu.memref_slice %arg10[%dma_start3A_210, %dma_start3A_211] : memref<10112x128xf32, #tpu.memory_space<vmem_shared>> -> memref<10112x128xf32, #tpu.memory_space<vmem_shared>>
          tpu.enqueue_indirect_dma source(%arg9 : memref<128x128xf32, #tpu.memory_space<vmem>>) target(%dma_start3A_212 : memref<10112x128xf32, #tpu.memory_space<vmem_shared>>) offsets(%dma_start3A_209 : memref<128xi32, #tpu.memory_space<vmem>>) semaphore(%run_scoped3A : memref<!tpu.dma_semaphore, #tpu.memory_space<semaphore_mem>>) {add = true}
          %dma_wait3A_213 = arith.constant 0 : i32
          %dma_wait3A_214 = tpu.memref_slice %arg7[%add3A_205, %dma_wait3A_213] : memref<40x128xi32, #tpu.memory_space<vmem>> -> memref<1x128xi32, #tpu.memory_space<vmem>>
          %dma_wait3A_215 = tpu.memref_squeeze %dma_wait3A_214 : memref<1x128xi32, #tpu.memory_space<vmem>> -> memref<128xi32, #tpu.memory_space<vmem>>
          %dma_wait3A_216 = arith.constant 0 : i32
          %dma_wait3A_217 = arith.constant 0 : i32
          %dma_wait3A_218 = tpu.memref_slice %arg10[%dma_wait3A_216, %dma_wait3A_217] : memref<10112x128xf32, #tpu.memory_space<vmem_shared>> -> memref<10112x128xf32, #tpu.memory_space<vmem_shared>>
          tpu.wait_indirect_dma semaphore(%run_scoped3A : memref<!tpu.dma_semaphore, #tpu.memory_space<semaphore_mem>>) src(%arg9 : memref<128x128xf32, #tpu.memory_space<vmem>>) dst(%dma_wait3A_218 : memref<10112x128xf32, #tpu.memory_space<vmem_shared>>)
          tpu.yield
        }) : () -> ()
        %scan3A_206 = arith.constant 0 : i32
        scf.yield %scan3A_206 : i32
      }
      %scan3A_174 = arith.constant 20 : i32
      %while3A_175 = arith.constant 0 : i32
      scf.yield %while3A_175 : i32
    }
    %while3A_116 = arith.constant 1 : i32
    %while3A_117 = scf.for %while3A_131 = %while3A_113 to %while3A_109 step %while3A_116 iter_args(%while3A_132 = %while3A_115) -> (i32)  : i32 {
      %mul3A = arith.constant 16 : i32
      %mul3A_133 = arith.muli %while3A_131, %mul3A : i32
      %add3A_134 = arith.addi %select_n3A_105, %mul3A_133 : i32
      %dma_start3A = arith.constant 0 : i32
      %dma_start3A_135 = tpu.memref_slice %arg3[%add3A_134, %dma_start3A] : memref<64x5120xi32, #tpu.memory_space<hbm>> -> memref<1x5120xi32, #tpu.memory_space<hbm>>
      %dma_start3A_136 = tpu.memref_squeeze %dma_start3A_135 : memref<1x5120xi32, #tpu.memory_space<hbm>> -> memref<5120xi32, #tpu.memory_space<hbm>>
      %dma_start3A_137 = arith.constant 0 : i32
      %dma_start3A_138 = tpu.memref_slice %arg3[%add3A_134, %dma_start3A_137] : memref<64x5120xi32, #tpu.memory_space<hbm>> -> memref<1x5120xi32, #tpu.memory_space<hbm>>
      %dma_start3A_139 = tpu.memref_squeeze %dma_start3A_138 : memref<1x5120xi32, #tpu.memory_space<hbm>> -> memref<5120xi32, #tpu.memory_space<hbm>>
      tpu.enqueue_dma source(%dma_start3A_139 : memref<5120xi32, #tpu.memory_space<hbm>>) target(%arg6 : memref<5120xi32, #tpu.memory_space<vmem>>) target_semaphore(%arg13 : memref<!tpu.dma_semaphore, #tpu.memory_space<semaphore_mem>>)
      %dma_start3A_140 = arith.constant 0 : i32
      %dma_start3A_141 = arith.constant 0 : i32
      %dma_start3A_142 = tpu.memref_slice %arg4[%add3A_134, %dma_start3A_140, %dma_start3A_141] : memref<64x40x128xi32, #tpu.memory_space<hbm>> -> memref<1x40x128xi32, #tpu.memory_space<hbm>>
      %dma_start3A_143 = tpu.memref_squeeze %dma_start3A_142 : memref<1x40x128xi32, #tpu.memory_space<hbm>> -> memref<40x128xi32, #tpu.memory_space<hbm>>
      %dma_start3A_144 = arith.constant 0 : i32
      %dma_start3A_145 = arith.constant 0 : i32
      %dma_start3A_146 = tpu.memref_slice %arg4[%add3A_134, %dma_start3A_144, %dma_start3A_145] : memref<64x40x128xi32, #tpu.memory_space<hbm>> -> memref<1x40x128xi32, #tpu.memory_space<hbm>>
      %dma_start3A_147 = tpu.memref_squeeze %dma_start3A_146 : memref<1x40x128xi32, #tpu.memory_space<hbm>> -> memref<40x128xi32, #tpu.memory_space<hbm>>
      tpu.enqueue_dma source(%dma_start3A_147 : memref<40x128xi32, #tpu.memory_space<hbm>>) target(%arg7 : memref<40x128xi32, #tpu.memory_space<vmem>>) target_semaphore(%arg13 : memref<!tpu.dma_semaphore, #tpu.memory_space<semaphore_mem>>)
      %dma_wait3A = arith.constant 0 : i32
      %dma_wait3A_148 = arith.constant 0 : i32
      %dma_wait3A_149 = tpu.memref_slice %arg3[%dma_wait3A, %dma_wait3A_148] : memref<64x5120xi32, #tpu.memory_space<hbm>> -> memref<1x5120xi32, #tpu.memory_space<hbm>>
      %dma_wait3A_150 = tpu.memref_squeeze %dma_wait3A_149 : memref<1x5120xi32, #tpu.memory_space<hbm>> -> memref<5120xi32, #tpu.memory_space<hbm>>
      %dma_wait3A_151 = arith.constant 0 : i32
      %dma_wait3A_152 = tpu.memref_slice %arg3[%dma_wait3A, %dma_wait3A_151] : memref<64x5120xi32, #tpu.memory_space<hbm>> -> memref<1x5120xi32, #tpu.memory_space<hbm>>
      %dma_wait3A_153 = tpu.memref_squeeze %dma_wait3A_152 : memref<1x5120xi32, #tpu.memory_space<hbm>> -> memref<5120xi32, #tpu.memory_space<hbm>>
      tpu.wait_dma2 semaphore(%arg13 : memref<!tpu.dma_semaphore, #tpu.memory_space<semaphore_mem>>) src(%dma_wait3A_153 : memref<5120xi32, #tpu.memory_space<hbm>>) dst(%arg6 : memref<5120xi32, #tpu.memory_space<vmem>>)
      %dma_wait3A_154 = arith.constant 0 : i32
      %dma_wait3A_155 = arith.constant 0 : i32
      %dma_wait3A_156 = arith.constant 0 : i32
      %dma_wait3A_157 = tpu.memref_slice %arg4[%dma_wait3A_154, %dma_wait3A_155, %dma_wait3A_156] : memref<64x40x128xi32, #tpu.memory_space<hbm>> -> memref<1x40x128xi32, #tpu.memory_space<hbm>>
      %dma_wait3A_158 = tpu.memref_squeeze %dma_wait3A_157 : memref<1x40x128xi32, #tpu.memory_space<hbm>> -> memref<40x128xi32, #tpu.memory_space<hbm>>
      %dma_wait3A_159 = arith.constant 0 : i32
      %dma_wait3A_160 = arith.constant 0 : i32
      %dma_wait3A_161 = tpu.memref_slice %arg4[%dma_wait3A_154, %dma_wait3A_159, %dma_wait3A_160] : memref<64x40x128xi32, #tpu.memory_space<hbm>> -> memref<1x40x128xi32, #tpu.memory_space<hbm>>
      %dma_wait3A_162 = tpu.memref_squeeze %dma_wait3A_161 : memref<1x40x128xi32, #tpu.memory_space<hbm>> -> memref<40x128xi32, #tpu.memory_space<hbm>>
      tpu.wait_dma2 semaphore(%arg13 : memref<!tpu.dma_semaphore, #tpu.memory_space<semaphore_mem>>) src(%dma_wait3A_162 : memref<40x128xi32, #tpu.memory_space<hbm>>) dst(%arg7 : memref<40x128xi32, #tpu.memory_space<vmem>>)
      %dma_start3A_163 = arith.constant 0 : i32
      %dma_start3A_164 = tpu.memref_slice %arg6[%dma_start3A_163] : memref<5120xi32, #tpu.memory_space<vmem>> -> memref<128xi32, #tpu.memory_space<vmem>>
      %dma_start3A_165 = arith.constant 0 : i32
      %dma_start3A_166 = arith.constant 0 : i32
      %dma_start3A_167 = tpu.memref_slice %arg2[%dma_start3A_165, %dma_start3A_166] : memref<10000x128xf32, #tpu.memory_space<hbm>> -> memref<10000x128xf32, #tpu.memory_space<hbm>>
      tpu.enqueue_indirect_dma source(%dma_start3A_167 : memref<10000x128xf32, #tpu.memory_space<hbm>>) target(%arg8 : memref<128x128xf32, #tpu.memory_space<vmem>>) offsets(%dma_start3A_164 : memref<128xi32, #tpu.memory_space<vmem>>) semaphore(%arg11 : memref<!tpu.dma_semaphore, #tpu.memory_space<semaphore_mem>>)
      %scan3A_168 = arith.constant 0 : i32
      %scan3A_169 = arith.constant 0 : i32
      %scan3A_170 = arith.constant 20 : i32
      %scan3A_171 = arith.addi %scan3A_169, %scan3A_170 : i32
      %scan3A_172 = arith.constant 1 : i32
      %scan3A_173 = scf.for %scan3A_176 = %scan3A_169 to %scan3A_171 step %scan3A_172 iter_args(%scan3A_177 = %scan3A_168) -> (i32)  : i32 {
        %mul3A_178 = arith.constant 2 : i32
        %mul3A_179 = arith.muli %mul3A_178, %scan3A_176 : i32
        %add3A_180 = arith.constant 1 : i32
        %add3A_181 = arith.addi %mul3A_179, %add3A_180 : i32
        %mul3A_182 = arith.constant 128 : i32
        %mul3A_183 = arith.muli %add3A_181, %mul3A_182 : i32
        %dma_start3A_184 = tpu.memref_slice %arg6[%mul3A_183] : memref<5120xi32, #tpu.memory_space<vmem>> -> memref<128xi32, #tpu.memory_space<vmem>>
        %dma_start3A_185 = arith.constant 0 : i32
        %dma_start3A_186 = arith.constant 0 : i32
        %dma_start3A_187 = tpu.memref_slice %arg2[%dma_start3A_185, %dma_start3A_186] : memref<10000x128xf32, #tpu.memory_space<hbm>> -> memref<10000x128xf32, #tpu.memory_space<hbm>>
        tpu.enqueue_indirect_dma source(%dma_start3A_187 : memref<10000x128xf32, #tpu.memory_space<hbm>>) target(%arg9 : memref<128x128xf32, #tpu.memory_space<vmem>>) offsets(%dma_start3A_184 : memref<128xi32, #tpu.memory_space<vmem>>) semaphore(%arg12 : memref<!tpu.dma_semaphore, #tpu.memory_space<semaphore_mem>>)
        %dma_wait3A_188 = arith.constant 0 : i32
        %dma_wait3A_189 = arith.constant 0 : i32
        %dma_wait3A_190 = tpu.memref_slice %arg2[%dma_wait3A_188, %dma_wait3A_189] : memref<10000x128xf32, #tpu.memory_space<hbm>> -> memref<128x128xf32, #tpu.memory_space<hbm>>
        %dma_wait3A_191 = arith.constant 0 : i32
        %dma_wait3A_192 = arith.constant 0 : i32
        %dma_wait3A_193 = tpu.memref_slice %arg2[%dma_wait3A_191, %dma_wait3A_192] : memref<10000x128xf32, #tpu.memory_space<hbm>> -> memref<128x128xf32, #tpu.memory_space<hbm>>
        tpu.wait_dma2 semaphore(%arg11 : memref<!tpu.dma_semaphore, #tpu.memory_space<semaphore_mem>>) src(%dma_wait3A_193 : memref<128x128xf32, #tpu.memory_space<hbm>>) dst(%arg8 : memref<128x128xf32, #tpu.memory_space<vmem>>)
        "tpu.region"() ({
          %run_scoped3A = tpu.sem_alloc : memref<!tpu.dma_semaphore, #tpu.memory_space<semaphore_mem>>
          %dma_start3A_207 = arith.constant 0 : i32
          %dma_start3A_208 = tpu.memref_slice %arg7[%mul3A_179, %dma_start3A_207] : memref<40x128xi32, #tpu.memory_space<vmem>> -> memref<1x128xi32, #tpu.memory_space<vmem>>
          %dma_start3A_209 = tpu.memref_squeeze %dma_start3A_208 : memref<1x128xi32, #tpu.memory_space<vmem>> -> memref<128xi32, #tpu.memory_space<vmem>>
          %dma_start3A_210 = arith.constant 0 : i32
          %dma_start3A_211 = arith.constant 0 : i32
          %dma_start3A_212 = tpu.memref_slice %arg10[%dma_start3A_210, %dma_start3A_211] : memref<10112x128xf32, #tpu.memory_space<vmem_shared>> -> memref<10112x128xf32, #tpu.memory_space<vmem_shared>>
          tpu.enqueue_indirect_dma source(%arg8 : memref<128x128xf32, #tpu.memory_space<vmem>>) target(%dma_start3A_212 : memref<10112x128xf32, #tpu.memory_space<vmem_shared>>) offsets(%dma_start3A_209 : memref<128xi32, #tpu.memory_space<vmem>>) semaphore(%run_scoped3A : memref<!tpu.dma_semaphore, #tpu.memory_space<semaphore_mem>>) {add = true}
          %dma_wait3A_213 = arith.constant 0 : i32
          %dma_wait3A_214 = tpu.memref_slice %arg7[%mul3A_179, %dma_wait3A_213] : memref<40x128xi32, #tpu.memory_space<vmem>> -> memref<1x128xi32, #tpu.memory_space<vmem>>
          %dma_wait3A_215 = tpu.memref_squeeze %dma_wait3A_214 : memref<1x128xi32, #tpu.memory_space<vmem>> -> memref<128xi32, #tpu.memory_space<vmem>>
          %dma_wait3A_216 = arith.constant 0 : i32
          %dma_wait3A_217 = arith.constant 0 : i32
          %dma_wait3A_218 = tpu.memref_slice %arg10[%dma_wait3A_216, %dma_wait3A_217] : memref<10112x128xf32, #tpu.memory_space<vmem_shared>> -> memref<10112x128xf32, #tpu.memory_space<vmem_shared>>
          tpu.wait_indirect_dma semaphore(%run_scoped3A : memref<!tpu.dma_semaphore, #tpu.memory_space<semaphore_mem>>) src(%arg8 : memref<128x128xf32, #tpu.memory_space<vmem>>) dst(%dma_wait3A_218 : memref<10112x128xf32, #tpu.memory_space<vmem_shared>>)
          tpu.yield
        }) : () -> ()
        %add3A_194 = arith.constant 2 : i32
        %add3A_195 = arith.addi %mul3A_179, %add3A_194 : i32
        %lt3A = arith.constant 40 : i32
        %lt3A_196 = arith.cmpi slt, %add3A_195, %lt3A : i32
        %convert_element_type3A = arith.extui %lt3A_196 : i1 to i32
        %cond3A = arith.constant 0 : i32
        %cond3A_197 = arith.cmpi ne, %convert_element_type3A, %cond3A : i32
        scf.if %cond3A_197 {
          %add3A_207 = arith.constant 2 : i32
          %add3A_208 = arith.addi %mul3A_179, %add3A_207 : i32
          %mul3A_209 = arith.constant 128 : i32
          %mul3A_210 = arith.muli %add3A_208, %mul3A_209 : i32
          %dma_start3A_211 = tpu.memref_slice %arg6[%mul3A_210] : memref<5120xi32, #tpu.memory_space<vmem>> -> memref<128xi32, #tpu.memory_space<vmem>>
          %dma_start3A_212 = arith.constant 0 : i32
          %dma_start3A_213 = arith.constant 0 : i32
          %dma_start3A_214 = tpu.memref_slice %arg2[%dma_start3A_212, %dma_start3A_213] : memref<10000x128xf32, #tpu.memory_space<hbm>> -> memref<10000x128xf32, #tpu.memory_space<hbm>>
          tpu.enqueue_indirect_dma source(%dma_start3A_214 : memref<10000x128xf32, #tpu.memory_space<hbm>>) target(%arg8 : memref<128x128xf32, #tpu.memory_space<vmem>>) offsets(%dma_start3A_211 : memref<128xi32, #tpu.memory_space<vmem>>) semaphore(%arg11 : memref<!tpu.dma_semaphore, #tpu.memory_space<semaphore_mem>>)
        } else {
        }
        %dma_wait3A_198 = arith.constant 0 : i32
        %dma_wait3A_199 = arith.constant 0 : i32
        %dma_wait3A_200 = tpu.memref_slice %arg2[%dma_wait3A_198, %dma_wait3A_199] : memref<10000x128xf32, #tpu.memory_space<hbm>> -> memref<128x128xf32, #tpu.memory_space<hbm>>
        %dma_wait3A_201 = arith.constant 0 : i32
        %dma_wait3A_202 = arith.constant 0 : i32
        %dma_wait3A_203 = tpu.memref_slice %arg2[%dma_wait3A_201, %dma_wait3A_202] : memref<10000x128xf32, #tpu.memory_space<hbm>> -> memref<128x128xf32, #tpu.memory_space<hbm>>
        tpu.wait_dma2 semaphore(%arg12 : memref<!tpu.dma_semaphore, #tpu.memory_space<semaphore_mem>>) src(%dma_wait3A_203 : memref<128x128xf32, #tpu.memory_space<hbm>>) dst(%arg9 : memref<128x128xf32, #tpu.memory_space<vmem>>)
        %add3A_204 = arith.constant 1 : i32
        %add3A_205 = arith.addi %mul3A_179, %add3A_204 : i32
        "tpu.region"() ({
          %run_scoped3A = tpu.sem_alloc : memref<!tpu.dma_semaphore, #tpu.memory_space<semaphore_mem>>
          %dma_start3A_207 = arith.constant 0 : i32
          %dma_start3A_208 = tpu.memref_slice %arg7[%add3A_205, %dma_start3A_207] : memref<40x128xi32, #tpu.memory_space<vmem>> -> memref<1x128xi32, #tpu.memory_space<vmem>>
          %dma_start3A_209 = tpu.memref_squeeze %dma_start3A_208 : memref<1x128xi32, #tpu.memory_space<vmem>> -> memref<128xi32, #tpu.memory_space<vmem>>
          %dma_start3A_210 = arith.constant 0 : i32
          %dma_start3A_211 = arith.constant 0 : i32
          %dma_start3A_212 = tpu.memref_slice %arg10[%dma_start3A_210, %dma_start3A_211] : memref<10112x128xf32, #tpu.memory_space<vmem_shared>> -> memref<10112x128xf32, #tpu.memory_space<vmem_shared>>
          tpu.enqueue_indirect_dma source(%arg9 : memref<128x128xf32, #tpu.memory_space<vmem>>) target(%dma_start3A_212 : memref<10112x128xf32, #tpu.memory_space<vmem_shared>>) offsets(%dma_start3A_209 : memref<128xi32, #tpu.memory_space<vmem>>) semaphore(%run_scoped3A : memref<!tpu.dma_semaphore, #tpu.memory_space<semaphore_mem>>) {add = true}
          %dma_wait3A_213 = arith.constant 0 : i32
          %dma_wait3A_214 = tpu.memref_slice %arg7[%add3A_205, %dma_wait3A_213] : memref<40x128xi32, #tpu.memory_space<vmem>> -> memref<1x128xi32, #tpu.memory_space<vmem>>
          %dma_wait3A_215 = tpu.memref_squeeze %dma_wait3A_214 : memref<1x128xi32, #tpu.memory_space<vmem>> -> memref<128xi32, #tpu.memory_space<vmem>>
          %dma_wait3A_216 = arith.constant 0 : i32
          %dma_wait3A_217 = arith.constant 0 : i32
          %dma_wait3A_218 = tpu.memref_slice %arg10[%dma_wait3A_216, %dma_wait3A_217] : memref<10112x128xf32, #tpu.memory_space<vmem_shared>> -> memref<10112x128xf32, #tpu.memory_space<vmem_shared>>
          tpu.wait_indirect_dma semaphore(%run_scoped3A : memref<!tpu.dma_semaphore, #tpu.memory_space<semaphore_mem>>) src(%arg9 : memref<128x128xf32, #tpu.memory_space<vmem>>) dst(%dma_wait3A_218 : memref<10112x128xf32, #tpu.memory_space<vmem_shared>>)
          tpu.yield
        }) : () -> ()
        %scan3A_206 = arith.constant 0 : i32
        scf.yield %scan3A_206 : i32
      }
      %scan3A_174 = arith.constant 20 : i32
      %while3A_175 = arith.constant 0 : i32
      scf.yield %while3A_175 : i32
    }
    %barrier3A_118 = arith.constant 0 : index
    tpu.barrier barrier_id(%barrier3A_118)
    %while3A_119 = arith.constant 0 : i32
    %while3A_120 = arith.constant 0 : i32
    %while3A_121 = arith.subi %select_n3A, %while3A_119 : i32
    %while3A_122 = arith.addi %while3A_119, %while3A_121 : i32
    %while3A_123 = arith.constant 1 : i32
    %while3A_124 = arith.divsi %while3A_121, %while3A_123 : i32
    %while3A_125 = arith.muli %while3A_124, %while3A_123 : i32
    %while3A_126 = arith.addi %while3A_119, %while3A_125 : i32
    %while3A_127 = arith.constant 1 : i32
    %while3A_128 = scf.for %while3A_131 = %while3A_119 to %while3A_126 step %while3A_127 iter_args(%while3A_132 = %while3A_120) -> (i32)  : i32 {
      %mul3A = arith.constant 16 : i32
      %mul3A_133 = arith.muli %while3A_131, %mul3A : i32
      %add3A_134 = arith.addi %arg1, %mul3A_133 : i32
      %mul3A_135 = arith.constant 128 : i32
      %mul3A_136 = arith.muli %add3A_134, %mul3A_135 : i32
      "tpu.region"() ({
        %run_scoped3A = tpu.sem_alloc : memref<!tpu.dma_semaphore, #tpu.memory_space<semaphore_mem>>
        %dma_start3A = arith.constant 0 : i32
        %dma_start3A_138 = tpu.memref_slice %arg5[%arg0, %mul3A_136, %dma_start3A] : memref<2x10112x128xf32, #tpu.memory_space<hbm>> -> memref<1x128x128xf32, #tpu.memory_space<hbm>>
        %dma_start3A_139 = tpu.memref_squeeze %dma_start3A_138 : memref<1x128x128xf32, #tpu.memory_space<hbm>> -> memref<128x128xf32, #tpu.memory_space<hbm>>
        %dma_start3A_140 = arith.constant 0 : i32
        %dma_start3A_141 = tpu.memref_slice %arg10[%mul3A_136, %dma_start3A_140] : memref<10112x128xf32, #tpu.memory_space<vmem_shared>> -> memref<128x128xf32, #tpu.memory_space<vmem_shared>>
        tpu.enqueue_dma source(%dma_start3A_141 : memref<128x128xf32, #tpu.memory_space<vmem_shared>>) target(%dma_start3A_139 : memref<128x128xf32, #tpu.memory_space<hbm>>) target_semaphore(%run_scoped3A : memref<!tpu.dma_semaphore, #tpu.memory_space<semaphore_mem>>)
        %dma_wait3A = arith.constant 0 : i32
        %dma_wait3A_142 = tpu.memref_slice %arg5[%arg0, %mul3A_136, %dma_wait3A] : memref<2x10112x128xf32, #tpu.memory_space<hbm>> -> memref<1x128x128xf32, #tpu.memory_space<hbm>>
        %dma_wait3A_143 = tpu.memref_squeeze %dma_wait3A_142 : memref<1x128x128xf32, #tpu.memory_space<hbm>> -> memref<128x128xf32, #tpu.memory_space<hbm>>
        %dma_wait3A_144 = arith.constant 0 : i32
        %dma_wait3A_145 = tpu.memref_slice %arg10[%mul3A_136, %dma_wait3A_144] : memref<10112x128xf32, #tpu.memory_space<vmem_shared>> -> memref<128x128xf32, #tpu.memory_space<vmem_shared>>
        tpu.wait_dma2 semaphore(%run_scoped3A : memref<!tpu.dma_semaphore, #tpu.memory_space<semaphore_mem>>) src(%dma_wait3A_145 : memref<128x128xf32, #tpu.memory_space<vmem_shared>>) dst(%dma_wait3A_143 : memref<128x128xf32, #tpu.memory_space<hbm>>)
        tpu.yield
      }) : () -> ()
      %while3A_137 = arith.constant 0 : i32
      scf.yield %while3A_137 : i32
    }
    %while3A_129 = arith.constant 1 : i32
    %while3A_130 = scf.for %while3A_131 = %while3A_126 to %while3A_122 step %while3A_129 iter_args(%while3A_132 = %while3A_128) -> (i32)  : i32 {
      %mul3A = arith.constant 16 : i32
      %mul3A_133 = arith.muli %while3A_131, %mul3A : i32
      %add3A_134 = arith.addi %arg1, %mul3A_133 : i32
      %mul3A_135 = arith.constant 128 : i32
      %mul3A_136 = arith.muli %add3A_134, %mul3A_135 : i32
      "tpu.region"() ({
        %run_scoped3A = tpu.sem_alloc : memref<!tpu.dma_semaphore, #tpu.memory_space<semaphore_mem>>
        %dma_start3A = arith.constant 0 : i32
        %dma_start3A_138 = tpu.memref_slice %arg5[%arg0, %mul3A_136, %dma_start3A] : memref<2x10112x128xf32, #tpu.memory_space<hbm>> -> memref<1x128x128xf32, #tpu.memory_space<hbm>>
        %dma_start3A_139 = tpu.memref_squeeze %dma_start3A_138 : memref<1x128x128xf32, #tpu.memory_space<hbm>> -> memref<128x128xf32, #tpu.memory_space<hbm>>
        %dma_start3A_140 = arith.constant 0 : i32
        %dma_start3A_141 = tpu.memref_slice %arg10[%mul3A_136, %dma_start3A_140] : memref<10112x128xf32, #tpu.memory_space<vmem_shared>> -> memref<128x128xf32, #tpu.memory_space<vmem_shared>>
        tpu.enqueue_dma source(%dma_start3A_141 : memref<128x128xf32, #tpu.memory_space<vmem_shared>>) target(%dma_start3A_139 : memref<128x128xf32, #tpu.memory_space<hbm>>) target_semaphore(%run_scoped3A : memref<!tpu.dma_semaphore, #tpu.memory_space<semaphore_mem>>)
        %dma_wait3A = arith.constant 0 : i32
        %dma_wait3A_142 = tpu.memref_slice %arg5[%arg0, %mul3A_136, %dma_wait3A] : memref<2x10112x128xf32, #tpu.memory_space<hbm>> -> memref<1x128x128xf32, #tpu.memory_space<hbm>>
        %dma_wait3A_143 = tpu.memref_squeeze %dma_wait3A_142 : memref<1x128x128xf32, #tpu.memory_space<hbm>> -> memref<128x128xf32, #tpu.memory_space<hbm>>
        %dma_wait3A_144 = arith.constant 0 : i32
        %dma_wait3A_145 = tpu.memref_slice %arg10[%mul3A_136, %dma_wait3A_144] : memref<10112x128xf32, #tpu.memory_space<vmem_shared>> -> memref<128x128xf32, #tpu.memory_space<vmem_shared>>
        tpu.wait_dma2 semaphore(%run_scoped3A : memref<!tpu.dma_semaphore, #tpu.memory_space<semaphore_mem>>) src(%dma_wait3A_145 : memref<128x128xf32, #tpu.memory_space<vmem_shared>>) dst(%dma_wait3A_143 : memref<128x128xf32, #tpu.memory_space<hbm>>)
        tpu.yield
      }) : () -> ()
      %while3A_137 = arith.constant 0 : i32
      scf.yield %while3A_137 : i32
    }
    return
  }
}

module attributes {stable_mosaic.version = 14 : i64} {
  func.func @_deg_tc_body(%arg0: i32, %arg1: memref<1x1x8192xi32, #tpu.memory_space<vmem>>, %arg2: memref<128x128xf32, #tpu.memory_space<vmem>>) attributes {dimension_semantics = [#tpu.dimension_semantics<arbitrary>], iteration_bounds = array<i64: 40>, scalar_prefetch = 0 : i64, scratch_operands = 0 : i64, tpu.core_type = #tpu.core_type<tc>, window_params = [{transform_indices = @transform_0, window_bounds = array<i64: 1, 1, 8192>}, {pipeline_mode = #tpu.pipeline_mode<synchronous>, transform_indices = @transform_1, window_bounds = array<i64: 128, 128>}]} {
    %get3A = arith.constant 0 : index
    %get3A_0 = arith.constant 0 : index
    %get3A_1 = arith.constant 0 : index
    %get3A_2 = vector.load %arg1[%get3A, %get3A_0, %get3A_1] : memref<1x1x8192xi32, #tpu.memory_space<vmem>>, vector<1x1x8192xi32>
    %get3A_3 = vector.shape_cast %get3A_2 : vector<1x1x8192xi32> to vector<1x8192xi32>
    %shift_right_arithmetic3A = arith.constant 7 : i32
    %shift_right_arithmetic3A_4 = vector.broadcast %shift_right_arithmetic3A : i32 to vector<1x8192xi32>
    %shift_right_arithmetic3A_5 = arith.shrsi %get3A_3, %shift_right_arithmetic3A_4 : vector<1x8192xi32>
    %and3A = arith.constant 127 : i32
    %and3A_6 = vector.broadcast %and3A : i32 to vector<1x8192xi32>
    %and3A_7 = arith.andi %get3A_3, %and3A_6 : vector<1x8192xi32>
    %iota3A = tpu.iota {dimensions = array<i32: 0>} : vector<128x8192xi32>
    %eq3A = vector.broadcast %shift_right_arithmetic3A_5 : vector<1x8192xi32> to vector<128x8192xi32>
    %eq3A_8 = arith.cmpi eq, %eq3A, %iota3A : vector<128x8192xi32>
    %jit3A = arith.constant 1.000000e+00 : f32
    %jit3A_9 = arith.constant 0.000000e+00 : f32
    %broadcast_in_dim3A = vector.broadcast %jit3A : f32 to vector<128x8192xf32>
    %broadcast_in_dim3A_10 = vector.broadcast %jit3A_9 : f32 to vector<128x8192xf32>
    %select_n3A = arith.select %eq3A_8, %broadcast_in_dim3A, %broadcast_in_dim3A_10 : vector<128x8192xi1>, vector<128x8192xf32>
    %convert_element_type3A = arith.truncf %select_n3A : vector<128x8192xf32> to vector<128x8192xbf16>
    %eq3A_11 = vector.broadcast %and3A_7 : vector<1x8192xi32> to vector<128x8192xi32>
    %eq3A_12 = arith.cmpi eq, %eq3A_11, %iota3A : vector<128x8192xi32>
    %jit3A_13 = arith.constant 1.000000e+00 : f32
    %jit3A_14 = arith.constant 0.000000e+00 : f32
    %broadcast_in_dim3A_15 = vector.broadcast %jit3A_13 : f32 to vector<128x8192xf32>
    %broadcast_in_dim3A_16 = vector.broadcast %jit3A_14 : f32 to vector<128x8192xf32>
    %select_n3A_17 = arith.select %eq3A_12, %broadcast_in_dim3A_15, %broadcast_in_dim3A_16 : vector<128x8192xi1>, vector<128x8192xf32>
    %convert_element_type3A_18 = arith.truncf %select_n3A_17 : vector<128x8192xf32> to vector<128x8192xbf16>
    %dot_general3A = arith.constant dense<0.000000e+00> : vector<128x128xf32>
    %dot_general3A_19 = tpu.matmul %convert_element_type3A, %convert_element_type3A_18, %dot_general3A {dimension_numbers = #tpu.dot_dimension_numbers<[1], [1], [0], [0], [0, 0, 1, 0], [], []>, transpose_lhs_hint = false} : vector<128x8192xbf16>, vector<128x8192xbf16>, vector<128x128xf32> -> vector<128x128xf32>
    %eq3A_20 = arith.constant 0 : i32
    %eq3A_21 = arith.cmpi eq, %arg0, %eq3A_20 : i32
    %convert_element_type3A_22 = arith.extui %eq3A_21 : i1 to i32
    %cond3A = arith.constant 0 : i32
    %cond3A_23 = arith.cmpi ne, %convert_element_type3A_22, %cond3A : i32
    scf.if %cond3A_23 {
      %broadcast_in_dim3A_29 = arith.constant 0.000000e+00 : f32
      %broadcast_in_dim3A_30 = vector.broadcast %broadcast_in_dim3A_29 : f32 to vector<128x128xf32>
      %swap3A_31 = arith.constant 0 : index
      %swap3A_32 = arith.constant 0 : index
      %swap3A_33 = vector.load %arg2[%swap3A_31, %swap3A_32] : memref<128x128xf32, #tpu.memory_space<vmem>>, vector<128x128xf32>
      tpu.vector_store %arg2[%swap3A_31, %swap3A_32], %broadcast_in_dim3A_30 {strides = array<i32>} : memref<128x128xf32, #tpu.memory_space<vmem>>, vector<128x128xf32>,
    } else {
    }
    %get3A_24 = arith.constant 0 : index
    %get3A_25 = arith.constant 0 : index
    %get3A_26 = vector.load %arg2[%get3A_24, %get3A_25] : memref<128x128xf32, #tpu.memory_space<vmem>>, vector<128x128xf32>
    %add3A = arith.addf %get3A_26, %dot_general3A_19 : vector<128x128xf32>
    %swap3A = arith.constant 0 : index
    %swap3A_27 = arith.constant 0 : index
    %swap3A_28 = vector.load %arg2[%swap3A, %swap3A_27] : memref<128x128xf32, #tpu.memory_space<vmem>>, vector<128x128xf32>
    tpu.vector_store %arg2[%swap3A, %swap3A_27], %add3A {strides = array<i32>} : memref<128x128xf32, #tpu.memory_space<vmem>>, vector<128x128xf32>,
    return
  }
  func.func @transform_0(%arg0: i32) -> (i32, i32, i32) {
    %c0_i32 = arith.constant 0 : i32
    %c0_i32_0 = arith.constant 0 : i32
    %c0_i32_1 = arith.constant 0 : i32
    return %arg0, %c0_i32, %c0_i32_0 : i32, i32, i32
  }
  func.func @transform_1(%arg0: i32) -> (i32, i32) {
    %c0_i32 = arith.constant 0 : i32
    %c0_i32_0 = arith.constant 0 : i32
    %c0_i32_1 = arith.constant 0 : i32
    return %c0_i32, %c0_i32_0 : i32, i32
  }
}

module attributes {stable_mosaic.version = 14 : i64} {
  func.func @_pre_body(%arg0: memref<10000x1xf32, #tpu.memory_space<vmem>>, %arg1: memref<10000x128xf32, #tpu.memory_space<vmem>>, %arg2: memref<128x128xf32, #tpu.memory_space<vmem>>, %arg3: memref<10000x128xf32, #tpu.memory_space<vmem>>, %arg4: memref<10000x1xf32, #tpu.memory_space<vmem>>) attributes {dimension_semantics = [], scalar_prefetch = 0 : i64, scratch_operands = 0 : i64, tpu.core_type = #tpu.core_type<tc>} {
    %get3A = arith.constant 0 : index
    %get3A_0 = arith.constant 0 : index
    %get3A_1 = vector.load %arg0[%get3A, %get3A_0] : memref<10000x1xf32, #tpu.memory_space<vmem>>, vector<10000x1xf32>
    %add3A = arith.constant 1.000000e+00 : f32
    %add3A_2 = vector.broadcast %add3A : f32 to vector<10000x1xf32>
    %add3A_3 = arith.addf %get3A_1, %add3A_2 : vector<10000x1xf32>
    %rsqrt3A = math.rsqrt %add3A_3 : vector<10000x1xf32>
    %swap3A = arith.constant 0 : index
    %swap3A_4 = arith.constant 0 : index
    %swap3A_5 = vector.load %arg4[%swap3A, %swap3A_4] : memref<10000x1xf32, #tpu.memory_space<vmem>>, vector<10000x1xf32>
    tpu.vector_store %arg4[%swap3A, %swap3A_4], %rsqrt3A {strides = array<i32>} : memref<10000x1xf32, #tpu.memory_space<vmem>>, vector<10000x1xf32>,
    %get3A_6 = arith.constant 0 : index
    %get3A_7 = arith.constant 0 : index
    %get3A_8 = vector.load %arg1[%get3A_6, %get3A_7] : memref<10000x128xf32, #tpu.memory_space<vmem>>, vector<10000x128xf32>
    %get3A_9 = arith.constant 0 : index
    %get3A_10 = arith.constant 0 : index
    %get3A_11 = vector.load %arg2[%get3A_9, %get3A_10] : memref<128x128xf32, #tpu.memory_space<vmem>>, vector<128x128xf32>
    %dot_general3A = arith.constant dense<0.000000e+00> : vector<10000x128xf32>
    %dot_general3A_12 = tpu.matmul %get3A_8, %get3A_11, %dot_general3A {dimension_numbers = #tpu.dot_dimension_numbers<[1], [0], [0], [1], [0, 0, 1, 1], [], []>, transpose_lhs_hint = false} : vector<10000x128xf32>, vector<128x128xf32>, vector<10000x128xf32> -> vector<10000x128xf32>
    %mul3A = vector.broadcast %rsqrt3A : vector<10000x1xf32> to vector<10000x128xf32>
    %mul3A_13 = arith.mulf %dot_general3A_12, %mul3A : vector<10000x128xf32>
    %swap3A_14 = arith.constant 0 : index
    %swap3A_15 = arith.constant 0 : index
    %swap3A_16 = vector.load %arg3[%swap3A_14, %swap3A_15] : memref<10000x128xf32, #tpu.memory_space<vmem>>, vector<10000x128xf32>
    tpu.vector_store %arg3[%swap3A_14, %swap3A_15], %mul3A_13 {strides = array<i32>} : memref<10000x128xf32, #tpu.memory_space<vmem>>, vector<10000x128xf32>,
    return
  }
}

module attributes {stable_mosaic.version = 14 : i64} {
  func.func @_mid_body(%arg0: memref<2x10112x128xf32, #tpu.memory_space<vmem>>, %arg1: memref<10000x128xf32, #tpu.memory_space<vmem>>, %arg2: memref<10000x1xf32, #tpu.memory_space<vmem>>, %arg3: memref<1x128xf32, #tpu.memory_space<vmem>>, %arg4: memref<1x128xf32, #tpu.memory_space<vmem>>, %arg5: memref<1x128xf32, #tpu.memory_space<vmem>>, %arg6: memref<128x128xf32, #tpu.memory_space<vmem>>, %arg7: memref<10000x128xf32, #tpu.memory_space<vmem>>) attributes {dimension_semantics = [], scalar_prefetch = 0 : i64, scratch_operands = 0 : i64, tpu.core_type = #tpu.core_type<tc>} {
    %get3A = arith.constant 0 : index
    %get3A_0 = arith.constant 0 : index
    %get3A_1 = vector.load %arg2[%get3A, %get3A_0] : memref<10000x1xf32, #tpu.memory_space<vmem>>, vector<10000x1xf32>
    %get3A_2 = arith.constant 0 : index
    %get3A_3 = arith.constant 0 : index
    %get3A_4 = arith.constant 0 : index
    %get3A_5 = vector.load %arg0[%get3A_2, %get3A_3, %get3A_4] : memref<2x10112x128xf32, #tpu.memory_space<vmem>>, vector<1x10000x128xf32>
    %get3A_6 = vector.shape_cast %get3A_5 : vector<1x10000x128xf32> to vector<10000x128xf32>
    %get3A_7 = arith.constant 1 : index
    %get3A_8 = arith.constant 0 : index
    %get3A_9 = arith.constant 0 : index
    %get3A_10 = vector.load %arg0[%get3A_7, %get3A_8, %get3A_9] : memref<2x10112x128xf32, #tpu.memory_space<vmem>>, vector<1x10000x128xf32>
    %get3A_11 = vector.shape_cast %get3A_10 : vector<1x10000x128xf32> to vector<10000x128xf32>
    %add3A = arith.addf %get3A_6, %get3A_11 : vector<10000x128xf32>
    %get3A_12 = arith.constant 0 : index
    %get3A_13 = arith.constant 0 : index
    %get3A_14 = vector.load %arg1[%get3A_12, %get3A_13] : memref<10000x128xf32, #tpu.memory_space<vmem>>, vector<10000x128xf32>
    %add3A_15 = arith.addf %add3A, %get3A_14 : vector<10000x128xf32>
    %mul3A = vector.broadcast %get3A_1 : vector<10000x1xf32> to vector<10000x128xf32>
    %mul3A_16 = arith.mulf %mul3A, %add3A_15 : vector<10000x128xf32>
    %get3A_17 = arith.constant 0 : index
    %get3A_18 = arith.constant 0 : index
    %get3A_19 = vector.load %arg3[%get3A_17, %get3A_18] : memref<1x128xf32, #tpu.memory_space<vmem>>, vector<1x128xf32>
    %add3A_20 = vector.broadcast %get3A_19 : vector<1x128xf32> to vector<10000x128xf32>
    %add3A_21 = arith.addf %mul3A_16, %add3A_20 : vector<10000x128xf32>
    %gt3A = arith.constant 0.000000e+00 : f32
    %gt3A_22 = vector.broadcast %gt3A : f32 to vector<10000x128xf32>
    %gt3A_23 = arith.cmpf ogt, %add3A_21, %gt3A_22 : vector<10000x128xf32>
    %exp3A = math.exp %add3A_21 : vector<10000x128xf32>
    %sub3A = arith.constant 1.000000e+00 : f32
    %sub3A_24 = vector.broadcast %sub3A : f32 to vector<10000x128xf32>
    %sub3A_25 = arith.subf %exp3A, %sub3A_24 : vector<10000x128xf32>
    %select_n3A = arith.select %gt3A_23, %add3A_21, %sub3A_25 : vector<10000x128xi1>, vector<10000x128xf32>
    %reduce_sum3A = arith.constant dense<0.000000e+00> : vector<128xf32>
    %reduce_sum3A_26 = vector.multi_reduction <add>, %select_n3A, %reduce_sum3A [0] : vector<10000x128xf32> to vector<128xf32>
    %broadcast_in_dim3A = vector.shape_cast %reduce_sum3A_26 : vector<128xf32> to vector<1x128xf32>
    %div3A = arith.constant 1.000000e+04 : f32
    %div3A_27 = vector.broadcast %div3A : f32 to vector<1x128xf32>
    %div3A_28 = arith.divf %broadcast_in_dim3A, %div3A_27 : vector<1x128xf32>
    %sub3A_29 = vector.broadcast %div3A_28 : vector<1x128xf32> to vector<10000x128xf32>
    %sub3A_30 = arith.subf %select_n3A, %sub3A_29 : vector<10000x128xf32>
    %sub3A_31 = vector.broadcast %div3A_28 : vector<1x128xf32> to vector<10000x128xf32>
    %sub3A_32 = arith.subf %select_n3A, %sub3A_31 : vector<10000x128xf32>
    %mul3A_33 = arith.mulf %sub3A_30, %sub3A_32 : vector<10000x128xf32>
    %reduce_sum3A_34 = arith.constant dense<0.000000e+00> : vector<128xf32>
    %reduce_sum3A_35 = vector.multi_reduction <add>, %mul3A_33, %reduce_sum3A_34 [0] : vector<10000x128xf32> to vector<128xf32>
    %broadcast_in_dim3A_36 = vector.shape_cast %reduce_sum3A_35 : vector<128xf32> to vector<1x128xf32>
    %div3A_37 = arith.constant 1.000000e+04 : f32
    %div3A_38 = vector.broadcast %div3A_37 : f32 to vector<1x128xf32>
    %div3A_39 = arith.divf %broadcast_in_dim3A_36, %div3A_38 : vector<1x128xf32>
    %sub3A_40 = vector.broadcast %div3A_28 : vector<1x128xf32> to vector<10000x128xf32>
    %sub3A_41 = arith.subf %select_n3A, %sub3A_40 : vector<10000x128xf32>
    %add3A_42 = arith.constant 9.99999974E-6 : f32
    %add3A_43 = vector.broadcast %add3A_42 : f32 to vector<1x128xf32>
    %add3A_44 = arith.addf %div3A_39, %add3A_43 : vector<1x128xf32>
    %rsqrt3A = math.rsqrt %add3A_44 : vector<1x128xf32>
    %mul3A_45 = vector.broadcast %rsqrt3A : vector<1x128xf32> to vector<10000x128xf32>
    %mul3A_46 = arith.mulf %sub3A_41, %mul3A_45 : vector<10000x128xf32>
    %get3A_47 = arith.constant 0 : index
    %get3A_48 = arith.constant 0 : index
    %get3A_49 = vector.load %arg4[%get3A_47, %get3A_48] : memref<1x128xf32, #tpu.memory_space<vmem>>, vector<1x128xf32>
    %mul3A_50 = vector.broadcast %get3A_49 : vector<1x128xf32> to vector<10000x128xf32>
    %mul3A_51 = arith.mulf %mul3A_46, %mul3A_50 : vector<10000x128xf32>
    %get3A_52 = arith.constant 0 : index
    %get3A_53 = arith.constant 0 : index
    %get3A_54 = vector.load %arg5[%get3A_52, %get3A_53] : memref<1x128xf32, #tpu.memory_space<vmem>>, vector<1x128xf32>
    %add3A_55 = vector.broadcast %get3A_54 : vector<1x128xf32> to vector<10000x128xf32>
    %add3A_56 = arith.addf %mul3A_51, %add3A_55 : vector<10000x128xf32>
    %get3A_57 = arith.constant 0 : index
    %get3A_58 = arith.constant 0 : index
    %get3A_59 = vector.load %arg6[%get3A_57, %get3A_58] : memref<128x128xf32, #tpu.memory_space<vmem>>, vector<128x128xf32>
    %dot_general3A = arith.constant dense<0.000000e+00> : vector<10000x128xf32>
    %dot_general3A_60 = tpu.matmul %add3A_56, %get3A_59, %dot_general3A {dimension_numbers = #tpu.dot_dimension_numbers<[1], [0], [0], [1], [0, 0, 1, 1], [], []>, transpose_lhs_hint = false} : vector<10000x128xf32>, vector<128x128xf32>, vector<10000x128xf32> -> vector<10000x128xf32>
    %mul3A_61 = vector.broadcast %get3A_1 : vector<10000x1xf32> to vector<10000x128xf32>
    %mul3A_62 = arith.mulf %dot_general3A_60, %mul3A_61 : vector<10000x128xf32>
    %swap3A = arith.constant 0 : index
    %swap3A_63 = arith.constant 0 : index
    %swap3A_64 = vector.load %arg7[%swap3A, %swap3A_63] : memref<10000x128xf32, #tpu.memory_space<vmem>>, vector<10000x128xf32>
    tpu.vector_store %arg7[%swap3A, %swap3A_63], %mul3A_62 {strides = array<i32>} : memref<10000x128xf32, #tpu.memory_space<vmem>>, vector<10000x128xf32>,
    return
  }
}

module attributes {stable_mosaic.version = 14 : i64} {
  func.func @_post_body(%arg0: memref<2x10112x128xf32, #tpu.memory_space<vmem>>, %arg1: memref<10000x128xf32, #tpu.memory_space<vmem>>, %arg2: memref<10000x1xf32, #tpu.memory_space<vmem>>, %arg3: memref<1x128xf32, #tpu.memory_space<vmem>>, %arg4: memref<128x32xf32, #tpu.memory_space<vmem>>, %arg5: memref<1x32xf32, #tpu.memory_space<vmem>>, %arg6: memref<10000x32xf32, #tpu.memory_space<vmem>>) attributes {dimension_semantics = [], scalar_prefetch = 0 : i64, scratch_operands = 0 : i64, tpu.core_type = #tpu.core_type<tc>} {
    %get3A = arith.constant 0 : index
    %get3A_0 = arith.constant 0 : index
    %get3A_1 = vector.load %arg2[%get3A, %get3A_0] : memref<10000x1xf32, #tpu.memory_space<vmem>>, vector<10000x1xf32>
    %get3A_2 = arith.constant 0 : index
    %get3A_3 = arith.constant 0 : index
    %get3A_4 = arith.constant 0 : index
    %get3A_5 = vector.load %arg0[%get3A_2, %get3A_3, %get3A_4] : memref<2x10112x128xf32, #tpu.memory_space<vmem>>, vector<1x10000x128xf32>
    %get3A_6 = vector.shape_cast %get3A_5 : vector<1x10000x128xf32> to vector<10000x128xf32>
    %get3A_7 = arith.constant 1 : index
    %get3A_8 = arith.constant 0 : index
    %get3A_9 = arith.constant 0 : index
    %get3A_10 = vector.load %arg0[%get3A_7, %get3A_8, %get3A_9] : memref<2x10112x128xf32, #tpu.memory_space<vmem>>, vector<1x10000x128xf32>
    %get3A_11 = vector.shape_cast %get3A_10 : vector<1x10000x128xf32> to vector<10000x128xf32>
    %add3A = arith.addf %get3A_6, %get3A_11 : vector<10000x128xf32>
    %get3A_12 = arith.constant 0 : index
    %get3A_13 = arith.constant 0 : index
    %get3A_14 = vector.load %arg1[%get3A_12, %get3A_13] : memref<10000x128xf32, #tpu.memory_space<vmem>>, vector<10000x128xf32>
    %add3A_15 = arith.addf %add3A, %get3A_14 : vector<10000x128xf32>
    %mul3A = vector.broadcast %get3A_1 : vector<10000x1xf32> to vector<10000x128xf32>
    %mul3A_16 = arith.mulf %mul3A, %add3A_15 : vector<10000x128xf32>
    %get3A_17 = arith.constant 0 : index
    %get3A_18 = arith.constant 0 : index
    %get3A_19 = vector.load %arg3[%get3A_17, %get3A_18] : memref<1x128xf32, #tpu.memory_space<vmem>>, vector<1x128xf32>
    %add3A_20 = vector.broadcast %get3A_19 : vector<1x128xf32> to vector<10000x128xf32>
    %add3A_21 = arith.addf %mul3A_16, %add3A_20 : vector<10000x128xf32>
    %gt3A = arith.constant 0.000000e+00 : f32
    %gt3A_22 = vector.broadcast %gt3A : f32 to vector<10000x128xf32>
    %gt3A_23 = arith.cmpf ogt, %add3A_21, %gt3A_22 : vector<10000x128xf32>
    %exp3A = math.exp %add3A_21 : vector<10000x128xf32>
    %sub3A = arith.constant 1.000000e+00 : f32
    %sub3A_24 = vector.broadcast %sub3A : f32 to vector<10000x128xf32>
    %sub3A_25 = arith.subf %exp3A, %sub3A_24 : vector<10000x128xf32>
    %select_n3A = arith.select %gt3A_23, %add3A_21, %sub3A_25 : vector<10000x128xi1>, vector<10000x128xf32>
    %get3A_26 = arith.constant 0 : index
    %get3A_27 = arith.constant 0 : index
    %get3A_28 = vector.load %arg4[%get3A_26, %get3A_27] : memref<128x32xf32, #tpu.memory_space<vmem>>, vector<128x32xf32>
    %dot_general3A = arith.constant dense<0.000000e+00> : vector<10000x32xf32>
    %dot_general3A_29 = tpu.matmul %select_n3A, %get3A_28, %dot_general3A {dimension_numbers = #tpu.dot_dimension_numbers<[1], [0], [0], [1], [0, 0, 1, 1], [], []>, transpose_lhs_hint = false} : vector<10000x128xf32>, vector<128x32xf32>, vector<10000x32xf32> -> vector<10000x32xf32>
    %get3A_30 = arith.constant 0 : index
    %get3A_31 = arith.constant 0 : index
    %get3A_32 = vector.load %arg5[%get3A_30, %get3A_31] : memref<1x32xf32, #tpu.memory_space<vmem>>, vector<1x32xf32>
    %add3A_33 = vector.broadcast %get3A_32 : vector<1x32xf32> to vector<10000x32xf32>
    %add3A_34 = arith.addf %dot_general3A_29, %add3A_33 : vector<10000x32xf32>
    %reduce_max3A = arith.constant dense<0xFF800000> : vector<10000xf32>
    %reduce_max3A_35 = vector.multi_reduction <maximumf>, %add3A_34, %reduce_max3A [1] : vector<10000x32xf32> to vector<10000xf32>
    %broadcast_in_dim3A = vector.shape_cast %reduce_max3A_35 : vector<10000xf32> to vector<10000x1xf32>
    %sub3A_36 = vector.broadcast %broadcast_in_dim3A : vector<10000x1xf32> to vector<10000x32xf32>
    %sub3A_37 = arith.subf %add3A_34, %sub3A_36 : vector<10000x32xf32>
    %exp3A_38 = math.exp %sub3A_37 : vector<10000x32xf32>
    %reduce_sum3A = arith.constant dense<0.000000e+00> : vector<10000xf32>
    %reduce_sum3A_39 = vector.multi_reduction <add>, %exp3A_38, %reduce_sum3A [1] : vector<10000x32xf32> to vector<10000xf32>
    %broadcast_in_dim3A_40 = vector.shape_cast %reduce_sum3A_39 : vector<10000xf32> to vector<10000x1xf32>
    %log3A = math.log %broadcast_in_dim3A_40 : vector<10000x1xf32>
    %add3A_41 = arith.addf %broadcast_in_dim3A, %log3A : vector<10000x1xf32>
    %sub3A_42 = vector.broadcast %add3A_41 : vector<10000x1xf32> to vector<10000x32xf32>
    %sub3A_43 = arith.subf %add3A_34, %sub3A_42 : vector<10000x32xf32>
    %swap3A = arith.constant 0 : index
    %swap3A_44 = arith.constant 0 : index
    %swap3A_45 = vector.load %arg6[%swap3A, %swap3A_44] : memref<10000x32xf32, #tpu.memory_space<vmem>>, vector<10000x32xf32>
    tpu.vector_store %arg6[%swap3A, %swap3A_44], %sub3A_43 {strides = array<i32>} : memref<10000x32xf32, #tpu.memory_space<vmem>>, vector<10000x32xf32>,
    return
  }
}

</mosaic_0001>

<sc_bundles>
// kernel: kernel.11.cloned.1.call-start
scs
__scs_entry_jumppad:
0x0: {  	(pc) =	sbr.rel $0x88, $3  }
0x1: {  	(tag) =	ssettag $0x0;
	lr =	simm.s32 $0x1  }
0x2: {  	[smem:$0x3F97] =	sst lr;
	_ =	strace $0xD0000000  }
0x3: {  	_ = 	snop  }
0x4: {  	_ = 	snop  }
0x5: {  	_ = 	snop  }
0x6: {  	_ = 	snop  }
0x7: {  	_ = 	snop  }
__scs_overlays_trampoline_lowered:
0x8: {  	[smem:$0x3FA6] =	sst s0  }
0x9: {  	[smem:$0x3FA7] =	sst s1  }
0xa: {  	[smem:$0x3FA8] =	sst s2  }
0xb: {  	[smem:$0x3FA9] =	sst s3  }
0xc: {  	[smem:$0x3FAA] =	sst s4  }
0xd: {  	[smem:$0x3FAB] =	sst s5  }
0xe: {  	[smem:$0x3FAC] =	sst s6  }
0xf: {  	[smem:$0x3FAD] =	sst s7  }
0x10: {  	[smem:$0x3FAE] =	sst s8  }
0x11: {  	[smem:$0x3FAF] =	sst s9;
	s0 =	simm.s32 @!p0 $0x0  }
0x12: {  	s1 =	sld [smem:$0x3F95];
	s0 =	simm.s32 @p0 $0x1  }
0x13: {  	[smem:$0x3FB0] =	sst s0;
	s0 =	simm.s32 @!p1 $0x0  }
0x14: {  	s2 =	sld [smem:$0x3F94];
	s0 =	simm.s32 @p1 $0x1  }
0x15: {  	[smem:$0x3FB1] =	sst s0;
	s0 =	simm.s32 @!p2 $0x0  }
0x16: {  	s3 =	sld [smem:$0x3FDB];
	s0 =	simm.s32 @p2 $0x1  }
0x17: {  	s4 =	simm.s32 $0x1BF5;
	[smem:$0x3FB3] =	sst s0  }
0x18: {  	s0 =	sld [smem:$0x3F96];
	_ =	swait.ge [sflag:s4], $0x0  }
0x19: {  	s7 =	sld [smem:$0x3F97]  }
0x1a: {  	s8 =	sadd.s32 $0xFFFFE003, lr  }
0x1b: {  	s9 =	sadd.s32 $0xFFFFFEF7, lr;
	s5 =	simm.s32 $0xFFFFFFFF;
	p2 =	slt.u32 s8, $0xFFFFF086  }
0x1c: {  	p1 =	slt.u32 s9, $0xF7A;
	s5 =	simm.s32 @!p2 $0x0  }
0x1d: {  	s5 =	simm.s32 @p1 $0x1;
	p0 =	seq.s32 s7, s2  }
0x1e: {  	s7 =	smul.u32 @!p0 $0xF7A, s2;
	p2 =	seq.s32 @!p0 s5, $0x0  }
0x1f: {  	s9 =	smul.u32 $0xF7A, s1;
	s8 =	simm.s32 @!p0 $0x1BF5;
	p2 =	por !p2, p0  }
0x20: {  	[sflag:s8] =	ssyncset.s32 @!p0 $0xFFFFF086;
	s6 =	sadd.s32 @!p0 s3, s7;
	s7 =	simm.s32 @!p0 $0x108  }
0x21: {  	s3 =	sadd.s32 s3, s9;
	s6 =	sadd.s32 @!p0 $0x88, s6;
	s7 =	simm.s32 @p2 $0x1082  }
0x22: {  	[simem:s7], [sflag:s8] =	dma.local @!p0 [hbm:s6], $0xF7A  }
0x23: {  	s9 =	sor.u32 $0xD0000000, s2;
	s6 =	simm.s32 $0x108;
	_ =	swait.ge @!p0 [sflag:s8], $0x0  }
0x24: {  	s3 =	sadd.s32 $0x88, s3;
	s6 =	simm.s32 @!p1 $0x1082;
	[sflag:s4] =	ssyncset.s32 $0xFFFFF086  }
0x25: {  	[simem:s6], [sflag:s4] =	dma.local [hbm:s3], $0xF7A  }
0x26: {  	[smem:$0x3F97] =	sst s1;
	(tag) =	ssettag s2;
	_ =	strace s9  }
0x27: {  	s1 =	sld [smem:$0x3FA7]  }
0x28: {  	s2 =	sld [smem:$0x3FA8]  }
0x29: {  	s4 =	sld [smem:$0x3FAA]  }
0x2a: {  	p0 =	seq.s32 s5, $0x0;
	s5 =	sld [smem:$0x3FAB]  }
0x2b: {  	s6 =	sld [smem:$0x3FAC]  }
0x2c: {  	s7 =	sld [smem:$0x3FAD]  }
0x2d: {  	s3 =	simm.s32 $0x108;
	s8 =	sld [smem:$0x3FAE]  }
0x2e: {  	s3 =	simm.s32 @!p0 $0x1082;
	s9 =	sld [smem:$0x3FAF]  }
0x2f: {  	lr =	sadd.s32 s0, s3;
	s0 =	sld [smem:$0x3FA6]  }
0x30: {  	s3 =	sld [smem:$0x3FA9]  }
0x31: {  	[smem:$0x3FB2] =	sst s10  }
0x32: {  	s10 =	sld [smem:$0x3FB0];
	_ =	sdelay $0x3  }
0x33: {  	p0 =	seq.s32 s10, $0x1;
	s10 =	sld [smem:$0x3FB2];
	_ =	sdelay $0x3  }
0x34: {  	[smem:$0x3FB2] =	sst s10  }
0x35: {  	s10 =	sld [smem:$0x3FB1];
	_ =	sdelay $0x3  }
0x36: {  	p1 =	seq.s32 s10, $0x1;
	s10 =	sld [smem:$0x3FB2];
	_ =	sdelay $0x3  }
0x37: {  	[smem:$0x3FB2] =	sst s10  }
0x38: {  	s10 =	sld [smem:$0x3FB3]  }
0x39: {  	_ = 	snop;
	(pc) =	sbr.ind lr, $3  }
0x3a: {  	_ = 	snop  }
0x3b: {  	_ = 	snop  }
0x3c: {  	p2 =	seq.s32 s10, $0x1;
	s10 =	sld [smem:$0x3FB2]  }
0x3d: {  	_ =	shalt  }
0x3e: {  	_ =	shalt  }
0x3f: {  	_ =	shalt  }
0x40: {  	_ =	shalt  }
0x41: {  	_ =	shalt  }
0x42: {  	_ =	shalt  }
0x43: {  	_ =	shalt  }
0x44: {  	_ =	shalt  }
0x45: {  	_ =	shalt  }
0x46: {  	_ =	shalt  }
0x47: {  	_ =	shalt  }
0x48: {  	_ =	shalt  }
0x49: {  	_ =	shalt  }
0x4a: {  	_ =	shalt  }
0x4b: {  	_ =	shalt  }
0x4c: {  	_ =	shalt  }
0x4d: {  	_ =	shalt  }
0x4e: {  	_ =	shalt  }
0x4f: {  	_ =	shalt  }
0x50: {  	_ =	shalt  }
0x51: {  	_ =	shalt  }
0x52: {  	_ =	shalt  }
0x53: {  	_ =	shalt  }
0x54: {  	_ =	shalt  }
0x55: {  	_ =	shalt  }
0x56: {  	_ =	shalt  }
0x57: {  	_ =	shalt  }
0x58: {  	_ =	shalt  }
0x59: {  	_ =	shalt  }
0x5a: {  	_ =	shalt  }
0x5b: {  	_ =	shalt  }
0x5c: {  	_ =	shalt  }
0x5d: {  	_ =	shalt  }
0x5e: {  	_ =	shalt  }
0x5f: {  	_ =	shalt  }
0x60: {  	_ =	shalt  }
0x61: {  	_ =	shalt  }
0x62: {  	_ =	shalt  }
0x63: {  	_ =	shalt  }
0x64: {  	_ =	shalt  }
0x65: {  	_ =	shalt  }
0x66: {  	_ =	shalt  }
0x67: {  	_ =	shalt  }
0x68: {  	_ =	shalt  }
0x69: {  	_ =	shalt  }
0x6a: {  	_ =	shalt  }
0x6b: {  	_ =	shalt  }
0x6c: {  	_ =	shalt  }
0x6d: {  	_ =	shalt  }
0x6e: {  	_ =	shalt  }
0x6f: {  	_ =	shalt  }
0x70: {  	_ =	shalt  }
0x71: {  	_ =	shalt  }
0x72: {  	_ =	shalt  }
0x73: {  	_ =	shalt  }
0x74: {  	_ =	shalt  }
0x75: {  	_ =	shalt  }
0x76: {  	_ =	shalt  }
0x77: {  	_ =	shalt  }
0x78: {  	_ =	shalt  }
0x79: {  	_ =	shalt  }
0x7a: {  	_ =	shalt  }
0x7b: {  	_ =	shalt  }
0x7c: {  	_ =	shalt  }
0x7d: {  	_ =	shalt  }
0x7e: {  	_ =	shalt  }
0x7f: {  	_ =	shalt  }
0x80: {  	_ =	shalt  }
0x81: {  	_ =	shalt  }
0x82: {  	_ =	shalt  }
0x83: {  	_ =	shalt  }
0x84: {  	_ =	shalt  }
0x85: {  	_ =	shalt  }
0x86: {  	_ =	shalt  }
0x87: {  	_ =	shalt  }
.Lfunc_end0:
.L_simem_size_0:
called_computation.1_lowered:
.L_overlay_start_0:
0x88: {  	s2 =	sld [smem:$0x3FD9]  }
0x89: {  	s3 =	sld [smem:$0x3FFE];
	_ =	sdelay $0x1  }
0x8a: {  	s1 =	srdreg.scid  }
0x8b: {  	s0 =	sand.u32 $0x1, s1  }
0x8c: {  	s16 =	sshll.u32 s0, $0xA;
	s2 =	sadd.s32 s3, s2  }
0x8d: {  	s2 =	sadd.s32 s2, s16  }
0x8e: {  	[smem:$0x3FBE] =	sst s2  }
0x8f: {  	_ = 	snop  }
0x90: {  	(tm) =	ssettm $0x1  }
0x91: {  	s17 =	sld [smem:$0x3FFB];
	_ =	sdelay $0x3  }
0x92: {  	_ =	strace s17  }
0x93: {  	s2 =	sld [smem:$0x3FFC];
	_ =	sdelay $0x3  }
0x94: {  	_ =	strace s2  }
0x95: {  	s2 =	sld [smem:$0x3FFD];
	_ =	sdelay $0x3  }
0x96: {  	_ =	strace s2  }
0x97: {  	_ =	strace $0x8FFFFFFF  }
0x98: {  	s18 =	sld [smem:$0x3FDB];
	_ =	sdelay $0x1  }
0x99: {  	s19 =	simm.s32 $_scs_section_size  }
0x9a: {  	s4 =	simm.s32 $_size__tile_overlayer_lowered;
	s5 =	simm.s32 $_tile_overlayer_lowered  }
0x9b: {  	s22 =	simm.s32 $0x1BFF;
	s21 =	sshll.u32 s5, $0x1;
	s2 =	sadd.s32 s19, s18  }
0x9c: {  	s6 =	simm.s32 $0x0;
	s20 =	sshll.u32 s4, $0x1;
	s4 =	sadd.s32 s21, s2  }
0x9d: {  	[timem:s6], [sflag:s22] =	dma.local [hbm:s4], s20  }
0x9e: {  	_ =	swait.ge [sflag:s22], s20  }
0x9f: {  	s3 =	ssub.s32 $0x0, s20;
	[sflag:s22] =	ssyncset.done $0x0  }
0xa0: {  	[sflag:s22] =	ssyncadd.s32 s3;
	_ =	sdelay $0x1  }
0xa1: {  	s23 =	simm.s32 $0x1B8B  }
0xa2: {  	_ =	swait.ge [sflag:s23], $0x1  }
0xa3: {  	[sflag:s23] =	ssyncset.done $0x0  }
0xa4: {  	s25 =	simm.s32 $0x1B8E;
	s24 =	sld [smem:$0x3FFE];
	[sflag:s23] =	ssyncadd.s32 $0xFFFFFFFF  }
0xa5: {  	s26 =	simm.s32 $execute0_lowered;
	[smem:$0x3FD2] =	sst s25  }
0xa6: {  	s4 =	sshll.u32 s26, $0x1;
	_ =	strace $0x80000049;
	[dreg:$0x1] =	wrdreg $0xFFFFFFFF  }
0xa7: {  	s28 =	simm.s32 $_size_execute0_lowered;
	s2 =	sadd.s32 s2, s4;
	[dreg:$0x0] =	wrdreg $0x0  }
0xa8: {  	s4 =	sshll.u32 s28, $0x1;
	[dreg:$0x2] =	wrdreg s2  }
0xa9: {  	[dreg:$0x3] =	wrdreg s4  }
0xaa: {  	[dreg:$0x4] =	wrdreg $0xC0  }
0xab: {  	_ =	task [dreg:s6], $0x5FFFF  }
0xac: {  	[dreg:$0x1] =	wrdreg $0xFFFFFFFF  }
0xad: {  	[dreg:$0x0] =	wrdreg $0x60  }
0xae: {  	[dreg:$0x2] =	wrdreg s24  }
0xaf: {  	[dreg:$0x3] =	wrdreg $0xA8000  }
0xb0: {  	[dreg:$0x4] =	wrdreg $0x9  }
0xb1: {  	_ =	task.clear_ibuf [dreg:s6], $0x5FFFF;
	_ =	strace $0x90000049  }
0xb2: {  	s29 =	simm.s32 $0x9;
	_ =	strace $0x8000004B  }
0xb3: {  	_ =	swait.ge [sflag:s29], $0x1  }
0xb4: {  	[sflag:s29] =	ssyncadd.s32 $0xFFFFFFFF  }
0xb5: {  	_ =	strace $0x9000004B  }
0xb6: {  	_ =	sfence  }
0xb7: {  	s30 =	sld [smem:$0x0];
	_ =	sdelay $0x2  }
0xb8: {  	s31 =	sshll.u32 s1, $0xD;
	s1 =	sshrl.u32 s1, $0x2  }
0xb9: {  	s3 =	sand.u32 $0x4000, s31;
	s1 =	sadd.s32 s1, s30  }
0xba: {  	s0 =	sor.u32 s3, s0;
	s1 =	sshll.u32 s1, $0x11  }
0xbb: {  	s0 =	sor.u32 s1, s0  }
0xbc: {  	s0 =	sadd.s32 $0x8F2B, s0  }
0xbd: {  	[sflag:s0] =	ssyncadd.remote.s32 $0x1  }
0xbe: {  	_ =	sfence.sel $0xFFFF  }
0xbf: {  	[dreg:$0x0] =	wrdreg $0xFFFFFFFF;
	(pc) =	sbr.abs _section_cstart, $3  }
0xc0: {  	[dreg:$0x1] =	wrdreg $0xFFFFFFFF  }
0xc1: {  	_ =	task.clear_ibuf [dreg:s6], $0x2FFFF;
	_ =	strace $0x9FFFFFFF  }
0xc2: {  	(tm) =	ssettm $0x7FFFFFFF  }
0xc3: {  	_ =	shalt  }
tec
execute0_lowered:
.L_overlay_start_1:
0x0: {  	(tag) =	ssettag $0x1  }
0x1: {  	s5 =	rddreg [dreg:$0x0]  }
0x2: {  	s1 =	rddreg [dreg:$0x1]  }
0x3: {  	s0 =	rddreg [dreg:$0x2];
	s3 =	simm.s32 $0x0;
	s2 =	srdreg.scid  }
0x4: {  	s17 =	simm.s32 $0x1400;
	s18 =	simm.s32 $0x3;
	s19 =	simm.s32 $0x6800  }
0x5: {  	s20 =	simm.s32 $0x1;
	s21 =	simm.s32 $0x2;
	s22 =	simm.s32 $0x1380  }
0x6: {  	s23 =	simm.s32 $0x2700;
	s24 =	simm.s32 $0x2780;
	[smem:$0x7FF] =	sst s3  }
0x7: {  	s6 =	sand.u32 $0x1, s2;
	s2 =	stileid.u32;
	s4 =	sadd.s32 $0x16A00, s5  }
0x8: {  	s10 =	sadd.s32 $0xCA00, s5;
	s11 =	sadd.s32 $0x2A00, s5;
	s7 =	smul.u32 $0x13C000, s6  }
0x9: {  	_ =	strace $0x8000004A;
	s8 =	sshll.u32 s2, $0xE;
	s9 =	ssub.s32 $0x2, s6  }
0xa: {  	s6 =	sshll.u32 s6, $0x5;
	s28 =	ssub.s32 $0x5E, s2;
	s14 =	sshll.u32 s2, $0x7  }
0xb: {  	s25 =	sshrl.u32 s9, $0x1;
	s29 =	sor.u32 s2, s6;
	s30 =	sand.u32 $0x380, s14  }
0xc: {  	s7 =	sadd.s32 s8, s7;
	s26 =	ssub.s32 s9, s25;
	s6 =	sshrl.u32 s29, $0x3  }
0xd: {  	s13 =	sor.u32 $0x10, s29;
	s9 =	smul.u32 $0x280, s29;
	s7 =	sshrl.u32 s7, $0x3  }
0xe: {  	s15 =	smul.u32 $0xA000, s6;
	s16 =	sshrl.u32 s13, $0x3;
	s6 =	sadd.s32 s8, s1  }
0xf: {  	s13 =	smul.u32 $0x280, s13;
	s12 =	sadd.s32 s7, s5;
	s5 =	sshrl.u32 s28, $0x4  }
0x10: {  	s31 =	smul.u32 $0xA000, s16;
	s7 =	smax.u32 s26, $0x1;
	s9 =	sadd.s32 s11, s9  }
0x11: {  	s16 =	simm.s32 $0x400;
	s15 =	sor.u32 s30, s15;
	s11 =	sadd.s32 s11, s13  }
0x12: {  	s12 =	sadd.s32 $0x3DC00, s12;
	s15 =	sshrl.u32 s15, $0x3;
	s14 =	sor.u32 s30, s31  }
0x13: {  	s13 =	simm.s32 $0x2800;
	s8 =	sadd.s32 s10, s15;
	s14 =	sshrl.u32 s14, $0x3  }
0x14: {  	v0 =	vimm.f32 $0.0e+00;
	s15 =	simm.s32 $0x80;
	s10 =	sadd.s32 s10, s14;
	s14 =	simm.s32 $0x4  }
.LBB2_1:
0x15: {  	s25 =	simm.s32 $0x0;
	s26 =	simm.s32 $0x200  }
.LBB2_2:
0x16: {  	p0 =	sne.s32 s26, $0xFE00;
	[tilespmem:s25+$0x2870] =	vst v0  }
0x17: {  	[tilespmem:s25+$0x2800] =	vst v0  }
0x18: {  	[tilespmem:s25+$0x2810] =	vst v0  }
.Ltmp0:
0x19: {  	[tilespmem:s25+$0x2820] =	vst v0;
	(pc) =	sbr.rel @p0 .LBB2_2-.Ltmp0, $4  }
0x1a: {  	[tilespmem:s25+$0x2830] =	vst v0  }
0x1b: {  	[tilespmem:s25+$0x2840] =	vst v0  }
0x1c: {  	[tilespmem:s25+$0x2850] =	vst v0  }
0x1d: {  	[tilespmem:s25+$0x2860] =	vst v0;
	s25 =	sshra.s32 s26, $0x2;
	s26 =	sadd.s32 $0x200, s26  }
0x1e: {  	[tilespmem:s25+$0x2870] =	vst v0  }
0x1f: {  	[tilespmem:s25+$0x2800] =	vst v0  }
0x20: {  	[tilespmem:s25+$0x2810] =	vst v0  }
0x21: {  	[tilespmem:s25+$0x2820] =	vst v0  }
0x22: {  	[tilespmem:s25+$0x2830] =	vst v0  }
0x23: {  	[tilespmem:s25+$0x2840] =	vst v0;
	p0 =	sne.s32 s5, $0x1  }
.Ltmp1:
0x24: {  	[tilespmem:s25+$0x2850] =	vst v0;
	(pc) =	sbr.rel @!p0 .LBB2_5-.Ltmp1, $4  }
0x25: {  	[tilespmem:s25+$0x2860] =	vst v0  }
0x26: {  	[spmem:s6] =	stream.linear.scatter [tilespmem:s13], [sflag:$0x4], $0x4000, $0x38;
	[tilespmem:$0x1E400] =	vst v63  }
0x27: {  	_ =	swait.ge [sflag:s14], $0x4000  }
0x28: {  	s25 =	sadd.s32 $0xFFFFFFFF, s5;
	s26 =	smov.u32 s6;
	[sflag:s14] =	ssyncset.done $0x0  }
.LBB2_4:
0x29: {  	p1 =	sne.s32 s25, $0x1;
	[sflag:s14] =	ssyncadd.s32 $0xFFFFC000;
	s26 =	sadd.s32 $0x40000, s26  }
.Ltmp2:
0x2a: {  	s25 =	sadd.s32 $0xFFFFFFFF, s25;
	(pc) =	sbr.rel @p1 .LBB2_4-.Ltmp2, $4  }
0x2b: {  	_ = 	snop  }
0x2c: {  	[spmem:s26] =	stream.linear.scatter [tilespmem:s13], [sflag:$0x4], $0x4000, $0x38;
	[tilespmem:$0x1E400] =	vst v63  }
0x2d: {  	_ =	swait.ge [sflag:s14], $0x4000  }
0x2e: {  	[sflag:s14] =	ssyncset.done $0x0  }
.LBB2_5:
0x2f: {  	[sflag:s14] =	ssyncadd.s32 $0xFFFFC000  }
0x30: {  	s25 =	simm.s32 $0x0;
	[bflag:$0x0] =	sbarrier.arrive $0xFFFF  }
0x31: {  	[tilespmem:s25], [sflag:$0x3] =	stream.strided.gather [hbm4b:s8+s15], $0x1400, s16, s15, $0x38;
	[tilespmem:$0x1E400] =	vst v63  }
0x32: {  	_ = 	snop  }
0x33: {  	[tilespmem:s17], [sflag:$0x3] =	stream.linear.gather [hbm4b:s9+s25], $0x1400, $0x38;
	[tilespmem:$0x1E400] =	vst v63  }
0x34: {  	_ =	swait.ge [sflag:s18], $0x1400  }
0x35: {  	[sflag:s18] =	ssyncset.done $0x0  }
0x36: {  	[sflag:s18] =	ssyncadd.s32 $0xFFFFEC00  }
0x37: {  	_ =	swait.ge [sflag:s18], $0x1400  }
0x38: {  	[sflag:s18] =	ssyncset.done $0x0  }
0x39: {  	[sflag:s18] =	ssyncadd.s32 $0xFFFFEC00  }
0x3a: {  	[tilespmem:s13], [sflag:$0x1] =	stream.indirect.gather [hbm4b:s4+s15], $0x80, s25, s15, $0xb8;
	[tilespmem:$0x1E400] =	vst v63  }
0x3b: {  	s28 =	simm.s32 $0x80  }
0x3c: {  	[tilespmem:s19], [sflag:$0x2] =	stream.indirect.gather [hbm4b:s4+s15], $0x80, s28, s15, $0xb8;
	[tilespmem:$0x1E400] =	vst v63  }
0x3d: {  	_ =	swait.ge [sflag:s20], $0x4000  }
0x3e: {  	[sflag:s20] =	ssyncset.done $0x0  }
0x3f: {  	s29 =	simm.s32 $0x1400;
	[sflag:s20] =	ssyncadd.s32 $0xFFFFC000  }
0x40: {  	[spmem:s1] =	stream.indirect.scatter.add.f32 [tilespmem:s13], [sflag:$0x4], $0x80, s29, s15, $0xb8;
	[tilespmem:$0x1E400] =	vst v63  }
0x41: {  	_ =	swait.ge [sflag:s14], $0x4000  }
0x42: {  	[sflag:s14] =	ssyncset.done $0x0  }
0x43: {  	s30 =	simm.s32 $0x100;
	[sflag:s14] =	ssyncadd.s32 $0xFFFFC000  }
0x44: {  	[tilespmem:s13], [sflag:$0x1] =	stream.indirect.gather [hbm4b:s4+s15], $0x80, s30, s15, $0xb8;
	[tilespmem:$0x1E400] =	vst v63  }
0x45: {  	_ =	swait.ge [sflag:s21], $0x4000  }
0x46: {  	[sflag:s21] =	ssyncset.done $0x0  }
0x47: {  	s31 =	simm.s32 $0x1480;
	[sflag:s21] =	ssyncadd.s32 $0xFFFFC000  }
0x48: {  	[spmem:s1] =	stream.indirect.scatter.add.f32 [tilespmem:s19], [sflag:$0x4], $0x80, s31, s15, $0xb8;
	[tilespmem:$0x1E400] =	vst v63  }
0x49: {  	_ =	swait.ge [sflag:s14], $0x4000  }
0x4a: {  	s26 =	simm.s32 $0x800;
	s25 =	simm.s32 $0x100;
	[sflag:s14] =	ssyncset.done $0x0  }
.LBB2_6:
0x4b: {  	s28 =	sadd.s32 $0x80, s25  }
0x4c: {  	[sflag:s14] =	ssyncadd.s32 $0xFFFFC000;
	s29 =	smov.u32 s26;
	s30 =	sadd.s32 $0x400, s26  }
0x4d: {  	[tilespmem:s19], [sflag:$0x2] =	stream.indirect.gather [hbm4b:s4+s15], $0x80, s28, s15, $0xb8;
	[tilespmem:$0x1E400] =	vst v63  }
0x4e: {  	p1 =	sne.s32 s26, $0x4800;
	_ =	swait.ge [sflag:s20], $0x4000  }
0x4f: {  	[sflag:s20] =	ssyncset.done $0x0  }
0x50: {  	s26 =	sadd.s32 $0x1400, s25;
	[sflag:s20] =	ssyncadd.s32 $0xFFFFC000  }
0x51: {  	[spmem:s1] =	stream.indirect.scatter.add.f32 [tilespmem:s13], [sflag:$0x4], $0x80, s26, s15, $0xb8;
	[tilespmem:$0x1E400] =	vst v63  }
0x52: {  	_ =	swait.ge [sflag:s14], $0x4000  }
0x53: {  	[sflag:s14] =	ssyncset.done $0x0  }
0x54: {  	s26 =	sadd.s32 $0x100, s25;
	[sflag:s14] =	ssyncadd.s32 $0xFFFFC000  }
0x55: {  	[tilespmem:s13], [sflag:$0x1] =	stream.indirect.gather [hbm4b:s4+s15], $0x80, s26, s15, $0xb8;
	[tilespmem:$0x1E400] =	vst v63  }
0x56: {  	_ =	swait.ge [sflag:s21], $0x4000  }
.Ltmp3:
0x57: {  	[sflag:s21] =	ssyncset.done $0x0;
	(pc) =	sbr.rel @p1 .LBB2_6-.Ltmp3, $4  }
0x58: {  	s25 =	sadd.s32 $0x1480, s25;
	[sflag:s21] =	ssyncadd.s32 $0xFFFFC000  }
0x59: {  	[spmem:s1] =	stream.indirect.scatter.add.f32 [tilespmem:s19], [sflag:$0x4], $0x80, s25, s15, $0xb8;
	[tilespmem:$0x1E400] =	vst v63  }
0x5a: {  	_ =	swait.ge [sflag:s14], $0x4000  }
0x5b: {  	s26 =	smov.u32 s30;
	s25 =	sshra.s32 s29, $0x2;
	[sflag:s14] =	ssyncset.done $0x0  }
0x5c: {  	s26 =	sadd.s32 $0x80, s25;
	[sflag:s14] =	ssyncadd.s32 $0xFFFFC000  }
0x5d: {  	[tilespmem:s19], [sflag:$0x2] =	stream.indirect.gather [hbm4b:s4+s15], $0x80, s26, s15, $0xb8;
	[tilespmem:$0x1E400] =	vst v63  }
0x5e: {  	_ =	swait.ge [sflag:s20], $0x4000  }
0x5f: {  	[sflag:s20] =	ssyncset.done $0x0  }
0x60: {  	s29 =	sadd.s32 $0x1400, s25;
	[sflag:s20] =	ssyncadd.s32 $0xFFFFC000  }
0x61: {  	[spmem:s1] =	stream.indirect.scatter.add.f32 [tilespmem:s13], [sflag:$0x4], $0x80, s29, s15, $0xb8;
	[tilespmem:$0x1E400] =	vst v63  }
0x62: {  	_ =	swait.ge [sflag:s14], $0x4000  }
0x63: {  	[sflag:s14] =	ssyncset.done $0x0  }
0x64: {  	s30 =	sadd.s32 $0x100, s25;
	[sflag:s14] =	ssyncadd.s32 $0xFFFFC000  }
0x65: {  	[tilespmem:s13], [sflag:$0x1] =	stream.indirect.gather [hbm4b:s4+s15], $0x80, s30, s15, $0xb8;
	[tilespmem:$0x1E400] =	vst v63  }
0x66: {  	_ =	swait.ge [sflag:s21], $0x4000  }
0x67: {  	[sflag:s21] =	ssyncset.done $0x0  }
0x68: {  	s31 =	sadd.s32 $0x1480, s25;
	[sflag:s21] =	ssyncadd.s32 $0xFFFFC000  }
0x69: {  	[spmem:s1] =	stream.indirect.scatter.add.f32 [tilespmem:s19], [sflag:$0x4], $0x80, s31, s15, $0xb8;
	[tilespmem:$0x1E400] =	vst v63  }
0x6a: {  	_ =	swait.ge [sflag:s14], $0x4000  }
0x6b: {  	[sflag:s14] =	ssyncset.done $0x0  }
0x6c: {  	[sflag:s14] =	ssyncadd.s32 $0xFFFFC000  }
0x6d: {  	[tilespmem:s19], [sflag:$0x2] =	stream.indirect.gather [hbm4b:s4+s15], $0x80, s22, s15, $0xb8;
	[tilespmem:$0x1E400] =	vst v63  }
0x6e: {  	_ =	swait.ge [sflag:s20], $0x4000  }
0x6f: {  	[sflag:s20] =	ssyncset.done $0x0  }
0x70: {  	[sflag:s20] =	ssyncadd.s32 $0xFFFFC000  }
0x71: {  	[spmem:s1] =	stream.indirect.scatter.add.f32 [tilespmem:s13], [sflag:$0x4], $0x80, s23, s15, $0xb8;
	[tilespmem:$0x1E400] =	vst v63  }
0x72: {  	_ =	swait.ge [sflag:s14], $0x4000  }
0x73: {  	[sflag:s14] =	ssyncset.done $0x0  }
0x74: {  	[sflag:s14] =	ssyncadd.s32 $0xFFFFC000  }
0x75: {  	_ =	swait.ge [sflag:s21], $0x4000  }
0x76: {  	[sflag:s21] =	ssyncset.done $0x0  }
0x77: {  	[sflag:s21] =	ssyncadd.s32 $0xFFFFC000  }
0x78: {  	[spmem:s1] =	stream.indirect.scatter.add.f32 [tilespmem:s19], [sflag:$0x4], $0x80, s24, s15, $0xb8;
	[tilespmem:$0x1E400] =	vst v63  }
0x79: {  	_ =	swait.ge [sflag:s14], $0x4000  }
0x7a: {  	[sflag:s14] =	ssyncset.done $0x0  }
0x7b: {  	s26 =	simm.s32 $0x0;
	[sflag:s14] =	ssyncadd.s32 $0xFFFFC000  }
0x7c: {  	[tilespmem:s26], [sflag:$0x3] =	stream.strided.gather [hbm4b:s10+s15], $0x1400, s16, s15, $0x38;
	[tilespmem:$0x1E400] =	vst v63  }
0x7d: {  	_ = 	snop  }
0x7e: {  	[tilespmem:s17], [sflag:$0x3] =	stream.linear.gather [hbm4b:s11+s26], $0x1400, $0x38;
	[tilespmem:$0x1E400] =	vst v63  }
0x7f: {  	_ =	swait.ge [sflag:s18], $0x1400  }
0x80: {  	[sflag:s18] =	ssyncset.done $0x0  }
0x81: {  	[sflag:s18] =	ssyncadd.s32 $0xFFFFEC00  }
0x82: {  	_ =	swait.ge [sflag:s18], $0x1400  }
0x83: {  	[sflag:s18] =	ssyncset.done $0x0  }
0x84: {  	[sflag:s18] =	ssyncadd.s32 $0xFFFFEC00  }
0x85: {  	[tilespmem:s13], [sflag:$0x1] =	stream.indirect.gather [hbm4b:s4+s15], $0x80, s26, s15, $0xb8;
	[tilespmem:$0x1E400] =	vst v63  }
0x86: {  	s28 =	simm.s32 $0x80  }
0x87: {  	[tilespmem:s19], [sflag:$0x2] =	stream.indirect.gather [hbm4b:s4+s15], $0x80, s28, s15, $0xb8;
	[tilespmem:$0x1E400] =	vst v63  }
0x88: {  	_ =	swait.ge [sflag:s20], $0x4000  }
0x89: {  	[sflag:s20] =	ssyncset.done $0x0  }
0x8a: {  	s29 =	simm.s32 $0x1400;
	[sflag:s20] =	ssyncadd.s32 $0xFFFFC000  }
0x8b: {  	[spmem:s1] =	stream.indirect.scatter.add.f32 [tilespmem:s13], [sflag:$0x4], $0x80, s29, s15, $0xb8;
	[tilespmem:$0x1E400] =	vst v63  }
0x8c: {  	_ =	swait.ge [sflag:s14], $0x4000  }
0x8d: {  	[sflag:s14] =	ssyncset.done $0x0  }
0x8e: {  	s30 =	simm.s32 $0x100;
	[sflag:s14] =	ssyncadd.s32 $0xFFFFC000  }
0x8f: {  	[tilespmem:s13], [sflag:$0x1] =	stream.indirect.gather [hbm4b:s4+s15], $0x80, s30, s15, $0xb8;
	[tilespmem:$0x1E400] =	vst v63  }
0x90: {  	_ =	swait.ge [sflag:s21], $0x4000  }
0x91: {  	[sflag:s21] =	ssyncset.done $0x0  }
0x92: {  	s31 =	simm.s32 $0x1480;
	[sflag:s21] =	ssyncadd.s32 $0xFFFFC000  }
0x93: {  	[spmem:s1] =	stream.indirect.scatter.add.f32 [tilespmem:s19], [sflag:$0x4], $0x80, s31, s15, $0xb8;
	[tilespmem:$0x1E400] =	vst v63  }
0x94: {  	_ =	swait.ge [sflag:s14], $0x4000  }
0x95: {  	s25 =	simm.s32 $0x100;
	s26 =	simm.s32 $0x800;
	[sflag:s14] =	ssyncset.done $0x0  }
.LBB2_8:
0x96: {  	s28 =	sadd.s32 $0x80, s25  }
0x97: {  	[sflag:s14] =	ssyncadd.s32 $0xFFFFC000;
	s29 =	smov.u32 s26;
	s30 =	sadd.s32 $0x400, s26  }
0x98: {  	[tilespmem:s19], [sflag:$0x2] =	stream.indirect.gather [hbm4b:s4+s15], $0x80, s28, s15, $0xb8;
	[tilespmem:$0x1E400] =	vst v63  }
0x99: {  	p1 =	sne.s32 s26, $0x4800;
	_ =	swait.ge [sflag:s20], $0x4000  }
0x9a: {  	[sflag:s20] =	ssyncset.done $0x0  }
0x9b: {  	s26 =	sadd.s32 $0x1400, s25;
	[sflag:s20] =	ssyncadd.s32 $0xFFFFC000  }
0x9c: {  	[spmem:s1] =	stream.indirect.scatter.add.f32 [tilespmem:s13], [sflag:$0x4], $0x80, s26, s15, $0xb8;
	[tilespmem:$0x1E400] =	vst v63  }
0x9d: {  	_ =	swait.ge [sflag:s14], $0x4000  }
0x9e: {  	[sflag:s14] =	ssyncset.done $0x0  }
0x9f: {  	s26 =	sadd.s32 $0x100, s25;
	[sflag:s14] =	ssyncadd.s32 $0xFFFFC000  }
0xa0: {  	[tilespmem:s13], [sflag:$0x1] =	stream.indirect.gather [hbm4b:s4+s15], $0x80, s26, s15, $0xb8;
	[tilespmem:$0x1E400] =	vst v63  }
0xa1: {  	_ =	swait.ge [sflag:s21], $0x4000  }
.Ltmp4:
0xa2: {  	[sflag:s21] =	ssyncset.done $0x0;
	(pc) =	sbr.rel @p1 .LBB2_8-.Ltmp4, $4  }
0xa3: {  	s25 =	sadd.s32 $0x1480, s25;
	[sflag:s21] =	ssyncadd.s32 $0xFFFFC000  }
0xa4: {  	[spmem:s1] =	stream.indirect.scatter.add.f32 [tilespmem:s19], [sflag:$0x4], $0x80, s25, s15, $0xb8;
	[tilespmem:$0x1E400] =	vst v63  }
0xa5: {  	_ =	swait.ge [sflag:s14], $0x4000  }
0xa6: {  	s26 =	smov.u32 s30;
	s25 =	sshra.s32 s29, $0x2;
	[sflag:s14] =	ssyncset.done $0x0  }
0xa7: {  	s26 =	sadd.s32 $0x80, s25;
	[sflag:s14] =	ssyncadd.s32 $0xFFFFC000  }
0xa8: {  	[tilespmem:s19], [sflag:$0x2] =	stream.indirect.gather [hbm4b:s4+s15], $0x80, s26, s15, $0xb8;
	[tilespmem:$0x1E400] =	vst v63  }
0xa9: {  	_ =	swait.ge [sflag:s20], $0x4000  }
0xaa: {  	[sflag:s20] =	ssyncset.done $0x0  }
0xab: {  	s30 =	sadd.s32 $0x1400, s25;
	[sflag:s20] =	ssyncadd.s32 $0xFFFFC000  }
0xac: {  	[spmem:s1] =	stream.indirect.scatter.add.f32 [tilespmem:s13], [sflag:$0x4], $0x80, s30, s15, $0xb8;
	[tilespmem:$0x1E400] =	vst v63  }
0xad: {  	_ =	swait.ge [sflag:s14], $0x4000  }
0xae: {  	[sflag:s14] =	ssyncset.done $0x0  }
0xaf: {  	s31 =	sadd.s32 $0x100, s25;
	[sflag:s14] =	ssyncadd.s32 $0xFFFFC000  }
0xb0: {  	[tilespmem:s13], [sflag:$0x1] =	stream.indirect.gather [hbm4b:s4+s15], $0x80, s31, s15, $0xb8;
	[tilespmem:$0x1E400] =	vst v63  }
0xb1: {  	_ =	swait.ge [sflag:s21], $0x4000  }
0xb2: {  	[sflag:s21] =	ssyncset.done $0x0  }
0xb3: {  	s26 =	sadd.s32 $0x1480, s25;
	[sflag:s21] =	ssyncadd.s32 $0xFFFFC000  }
0xb4: {  	[spmem:s1] =	stream.indirect.scatter.add.f32 [tilespmem:s19], [sflag:$0x4], $0x80, s26, s15, $0xb8;
	[tilespmem:$0x1E400] =	vst v63  }
0xb5: {  	_ =	swait.ge [sflag:s14], $0x4000  }
0xb6: {  	[sflag:s14] =	ssyncset.done $0x0  }
0xb7: {  	[sflag:s14] =	ssyncadd.s32 $0xFFFFC000  }
0xb8: {  	[tilespmem:s19], [sflag:$0x2] =	stream.indirect.gather [hbm4b:s4+s15], $0x80, s22, s15, $0xb8;
	[tilespmem:$0x1E400] =	vst v63  }
0xb9: {  	_ =	swait.ge [sflag:s20], $0x4000  }
0xba: {  	[sflag:s20] =	ssyncset.done $0x0  }
0xbb: {  	[sflag:s20] =	ssyncadd.s32 $0xFFFFC000  }
0xbc: {  	[spmem:s1] =	stream.indirect.scatter.add.f32 [tilespmem:s13], [sflag:$0x4], $0x80, s23, s15, $0xb8;
	[tilespmem:$0x1E400] =	vst v63  }
0xbd: {  	_ =	swait.ge [sflag:s14], $0x4000  }
0xbe: {  	[sflag:s14] =	ssyncset.done $0x0  }
0xbf: {  	[sflag:s14] =	ssyncadd.s32 $0xFFFFC000  }
0xc0: {  	_ =	swait.ge [sflag:s21], $0x4000  }
0xc1: {  	[sflag:s21] =	ssyncset.done $0x0  }
0xc2: {  	[sflag:s21] =	ssyncadd.s32 $0xFFFFC000  }
0xc3: {  	[spmem:s1] =	stream.indirect.scatter.add.f32 [tilespmem:s19], [sflag:$0x4], $0x80, s24, s15, $0xb8;
	[tilespmem:$0x1E400] =	vst v63  }
0xc4: {  	_ =	swait.ge [sflag:s14], $0x4000  }
.Ltmp5:
0xc5: {  	[sflag:s14] =	ssyncset.done $0x0;
	(pc) =	sbr.rel @!p0 .LBB2_11-.Ltmp5, $4  }
0xc6: {  	s28 =	sadd.s32 $0x8000, s12;
	s30 =	sshll.u32 s2, $0x6;
	[sflag:s14] =	ssyncadd.s32 $0xFFFFC000  }
0xc7: {  	s25 =	sor.u32 $0x1C04, s30;
	s31 =	sshrl.u32 s6, $0x3;
	[bflag:$0x0] =	sbarrier.arrive $0xFFFF  }
0xc8: {  	[hbm:s12], [sflag:s25] =	dma.local [spmem:s31], $0x800  }
0xc9: {  	s29 =	smov.u32 s6;
	s26 =	sadd.s32 $0xFFFFFFFF, s5;
	_ =	swait.ge [sflag:s14], $0x800  }
.LBB2_10:
0xca: {  	[sflag:s14] =	ssyncset.done $0x0;
	s29 =	sadd.s32 $0x40000, s29;
	p0 =	sne.s32 s26, $0x1  }
.Ltmp6:
0xcb: {  	s30 =	sshrl.u32 s29, $0x3;
	[sflag:s14] =	ssyncadd.s32 $0xFFFFF800;
	(pc) =	sbr.rel @p0 .LBB2_10-.Ltmp6, $3  }
0xcc: {  	[hbm:s28], [sflag:s25] =	dma.local [spmem:s30], $0x800  }
0xcd: {  	s26 =	sadd.s32 $0xFFFFFFFF, s26;
	_ =	sdelay $0x1  }
0xce: {  	s28 =	sadd.s32 $0x8000, s28;
	_ =	swait.ge [sflag:s14], $0x800  }
.LBB2_11:
0xcf: {  	s3 =	sadd.s32 $0x1, s3  }
0xd0: {  	p0 =	sne.s32 s3, s7  }
.Ltmp7:
0xd1: {  	_ = 	snop;
	(pc) =	sbr.rel @p0 .LBB2_1-.Ltmp7, $3  }
0xd2: {  	_ =	sdelay $0x1  }
0xd3: {  	[sflag:s14] =	ssyncset.done $0x0  }
0xd4: {  	[sflag:s14] =	ssyncadd.s32 $0xFFFFF800  }
0xd5: {  	_ =	sfence.sel $0x180000  }
0xd6: {  	[bflag:$0x0] =	sbarrier.arrive $0xFFFF  }
0xd7: {  	p0 =	sne.s32 s2, $0x0;
	_ =	strace $0x9000004A  }
0xd8: {  	s0 =	sadd.s32 @!p0 $0x100000, s0;
	[bflag:$0x2] =	sbarrier.arrive $0xFFFF  }
0xd9: {  	[sflag:s0] =	ssyncadd.tile.s32 @!p0 $0x1;
	_ =	shalt  }
.Lfunc_end2:
_tile_overlayer_lowered:
.L_overlay_start_2:
0xda: {  	(tag) =	ssettag $0x2  }
0xdb: {  	s0 =	rddreg [dreg:$0x0];
	s2 =	stileid.u32  }
0xdc: {  	s1 =	rddreg [dreg:$0x1];
	p0 =	sne.s32 s2, $0x0  }
0xdd: {  	s3 =	rddreg [dreg:$0x2];
	[bflag:$0x3] =	sbarrier.arrive $0xFFFF;
	s2 =	simm.s32 @!p0 $0x1C04  }
0xde: {  	[timem:s3], [sflag:s2] =	dma.local @!p0 [hbm:s0], s1  }
0xdf: {  	s0 =	simm.s32 @!p0 $0x4  }
0xe0: {  	_ =	swait.ge @!p0 [sflag:s0], s1  }
0xe1: {  	s1 =	ssub.s32 @!p0 $0x0, s1;
	[sflag:s0] =	ssyncset.done @!p0 $0x0  }
0xe2: {  	[sflag:s0] =	ssyncadd.s32 @!p0 s1  }
0xe3: {  	[bflag:$0x3] =	sbarrier.arrive $0xFFFF  }
0xe4: {  	_ =	shalt  }

// kernel: kernel.8.cloned.1.call-start
scs
__scs_entry_jumppad:
0x0: {  	(pc) =	sbr.rel $0x88, $3  }
0x1: {  	(tag) =	ssettag $0x0;
	lr =	simm.s32 $0x1  }
0x2: {  	[smem:$0x3F97] =	sst lr;
	_ =	strace $0xD0000000  }
0x3: {  	_ = 	snop  }
0x4: {  	_ = 	snop  }
0x5: {  	_ = 	snop  }
0x6: {  	_ = 	snop  }
0x7: {  	_ = 	snop  }
__scs_overlays_trampoline_lowered:
0x8: {  	[smem:$0x3FA6] =	sst s0  }
0x9: {  	[smem:$0x3FA7] =	sst s1  }
0xa: {  	[smem:$0x3FA8] =	sst s2  }
0xb: {  	[smem:$0x3FA9] =	sst s3  }
0xc: {  	[smem:$0x3FAA] =	sst s4  }
0xd: {  	[smem:$0x3FAB] =	sst s5  }
0xe: {  	[smem:$0x3FAC] =	sst s6  }
0xf: {  	[smem:$0x3FAD] =	sst s7  }
0x10: {  	[smem:$0x3FAE] =	sst s8  }
0x11: {  	[smem:$0x3FAF] =	sst s9;
	s0 =	simm.s32 @!p0 $0x0  }
0x12: {  	s1 =	sld [smem:$0x3F95];
	s0 =	simm.s32 @p0 $0x1  }
0x13: {  	[smem:$0x3FB0] =	sst s0;
	s0 =	simm.s32 @!p1 $0x0  }
0x14: {  	s2 =	sld [smem:$0x3F94];
	s0 =	simm.s32 @p1 $0x1  }
0x15: {  	[smem:$0x3FB1] =	sst s0;
	s0 =	simm.s32 @!p2 $0x0  }
0x16: {  	s3 =	sld [smem:$0x3FDB];
	s0 =	simm.s32 @p2 $0x1  }
0x17: {  	s4 =	simm.s32 $0x1BF5;
	[smem:$0x3FB3] =	sst s0  }
0x18: {  	s0 =	sld [smem:$0x3F96];
	_ =	swait.ge [sflag:s4], $0x0  }
0x19: {  	s7 =	sld [smem:$0x3F97]  }
0x1a: {  	s8 =	sadd.s32 $0xFFFFE003, lr  }
0x1b: {  	s9 =	sadd.s32 $0xFFFFFEF7, lr;
	s5 =	simm.s32 $0xFFFFFFFF;
	p2 =	slt.u32 s8, $0xFFFFF086  }
0x1c: {  	p1 =	slt.u32 s9, $0xF7A;
	s5 =	simm.s32 @!p2 $0x0  }
0x1d: {  	s5 =	simm.s32 @p1 $0x1;
	p0 =	seq.s32 s7, s2  }
0x1e: {  	s7 =	smul.u32 @!p0 $0xF7A, s2;
	p2 =	seq.s32 @!p0 s5, $0x0  }
0x1f: {  	s9 =	smul.u32 $0xF7A, s1;
	s8 =	simm.s32 @!p0 $0x1BF5;
	p2 =	por !p2, p0  }
0x20: {  	[sflag:s8] =	ssyncset.s32 @!p0 $0xFFFFF086;
	s6 =	sadd.s32 @!p0 s3, s7;
	s7 =	simm.s32 @!p0 $0x108  }
0x21: {  	s3 =	sadd.s32 s3, s9;
	s6 =	sadd.s32 @!p0 $0x88, s6;
	s7 =	simm.s32 @p2 $0x1082  }
0x22: {  	[simem:s7], [sflag:s8] =	dma.local @!p0 [hbm:s6], $0xF7A  }
0x23: {  	s9 =	sor.u32 $0xD0000000, s2;
	s6 =	simm.s32 $0x108;
	_ =	swait.ge @!p0 [sflag:s8], $0x0  }
0x24: {  	s3 =	sadd.s32 $0x88, s3;
	s6 =	simm.s32 @!p1 $0x1082;
	[sflag:s4] =	ssyncset.s32 $0xFFFFF086  }
0x25: {  	[simem:s6], [sflag:s4] =	dma.local [hbm:s3], $0xF7A  }
0x26: {  	[smem:$0x3F97] =	sst s1;
	(tag) =	ssettag s2;
	_ =	strace s9  }
0x27: {  	s1 =	sld [smem:$0x3FA7]  }
0x28: {  	s2 =	sld [smem:$0x3FA8]  }
0x29: {  	s4 =	sld [smem:$0x3FAA]  }
0x2a: {  	p0 =	seq.s32 s5, $0x0;
	s5 =	sld [smem:$0x3FAB]  }
0x2b: {  	s6 =	sld [smem:$0x3FAC]  }
0x2c: {  	s7 =	sld [smem:$0x3FAD]  }
0x2d: {  	s3 =	simm.s32 $0x108;
	s8 =	sld [smem:$0x3FAE]  }
0x2e: {  	s3 =	simm.s32 @!p0 $0x1082;
	s9 =	sld [smem:$0x3FAF]  }
0x2f: {  	lr =	sadd.s32 s0, s3;
	s0 =	sld [smem:$0x3FA6]  }
0x30: {  	s3 =	sld [smem:$0x3FA9]  }
0x31: {  	[smem:$0x3FB2] =	sst s10  }
0x32: {  	s10 =	sld [smem:$0x3FB0];
	_ =	sdelay $0x3  }
0x33: {  	p0 =	seq.s32 s10, $0x1;
	s10 =	sld [smem:$0x3FB2];
	_ =	sdelay $0x3  }
0x34: {  	[smem:$0x3FB2] =	sst s10  }
0x35: {  	s10 =	sld [smem:$0x3FB1];
	_ =	sdelay $0x3  }
0x36: {  	p1 =	seq.s32 s10, $0x1;
	s10 =	sld [smem:$0x3FB2];
	_ =	sdelay $0x3  }
0x37: {  	[smem:$0x3FB2] =	sst s10  }
0x38: {  	s10 =	sld [smem:$0x3FB3]  }
0x39: {  	_ = 	snop;
	(pc) =	sbr.ind lr, $3  }
0x3a: {  	_ = 	snop  }
0x3b: {  	_ = 	snop  }
0x3c: {  	p2 =	seq.s32 s10, $0x1;
	s10 =	sld [smem:$0x3FB2]  }
0x3d: {  	_ =	shalt  }
0x3e: {  	_ =	shalt  }
0x3f: {  	_ =	shalt  }
0x40: {  	_ =	shalt  }
0x41: {  	_ =	shalt  }
0x42: {  	_ =	shalt  }
0x43: {  	_ =	shalt  }
0x44: {  	_ =	shalt  }
0x45: {  	_ =	shalt  }
0x46: {  	_ =	shalt  }
0x47: {  	_ =	shalt  }
0x48: {  	_ =	shalt  }
0x49: {  	_ =	shalt  }
0x4a: {  	_ =	shalt  }
0x4b: {  	_ =	shalt  }
0x4c: {  	_ =	shalt  }
0x4d: {  	_ =	shalt  }
0x4e: {  	_ =	shalt  }
0x4f: {  	_ =	shalt  }
0x50: {  	_ =	shalt  }
0x51: {  	_ =	shalt  }
0x52: {  	_ =	shalt  }
0x53: {  	_ =	shalt  }
0x54: {  	_ =	shalt  }
0x55: {  	_ =	shalt  }
0x56: {  	_ =	shalt  }
0x57: {  	_ =	shalt  }
0x58: {  	_ =	shalt  }
0x59: {  	_ =	shalt  }
0x5a: {  	_ =	shalt  }
0x5b: {  	_ =	shalt  }
0x5c: {  	_ =	shalt  }
0x5d: {  	_ =	shalt  }
0x5e: {  	_ =	shalt  }
0x5f: {  	_ =	shalt  }
0x60: {  	_ =	shalt  }
0x61: {  	_ =	shalt  }
0x62: {  	_ =	shalt  }
0x63: {  	_ =	shalt  }
0x64: {  	_ =	shalt  }
0x65: {  	_ =	shalt  }
0x66: {  	_ =	shalt  }
0x67: {  	_ =	shalt  }
0x68: {  	_ =	shalt  }
0x69: {  	_ =	shalt  }
0x6a: {  	_ =	shalt  }
0x6b: {  	_ =	shalt  }
0x6c: {  	_ =	shalt  }
0x6d: {  	_ =	shalt  }
0x6e: {  	_ =	shalt  }
0x6f: {  	_ =	shalt  }
0x70: {  	_ =	shalt  }
0x71: {  	_ =	shalt  }
0x72: {  	_ =	shalt  }
0x73: {  	_ =	shalt  }
0x74: {  	_ =	shalt  }
0x75: {  	_ =	shalt  }
0x76: {  	_ =	shalt  }
0x77: {  	_ =	shalt  }
0x78: {  	_ =	shalt  }
0x79: {  	_ =	shalt  }
0x7a: {  	_ =	shalt  }
0x7b: {  	_ =	shalt  }
0x7c: {  	_ =	shalt  }
0x7d: {  	_ =	shalt  }
0x7e: {  	_ =	shalt  }
0x7f: {  	_ =	shalt  }
0x80: {  	_ =	shalt  }
0x81: {  	_ =	shalt  }
0x82: {  	_ =	shalt  }
0x83: {  	_ =	shalt  }
0x84: {  	_ =	shalt  }
0x85: {  	_ =	shalt  }
0x86: {  	_ =	shalt  }
0x87: {  	_ =	shalt  }
.Lfunc_end0:
.L_simem_size_0:
called_computation_lowered:
.L_overlay_start_0:
0x88: {  	s2 =	sld [smem:$0x3FD9]  }
0x89: {  	s3 =	sld [smem:$0x3FFE];
	_ =	sdelay $0x1  }
0x8a: {  	s1 =	srdreg.scid  }
0x8b: {  	s0 =	sand.u32 $0x1, s1  }
0x8c: {  	s16 =	sshll.u32 s0, $0xA;
	s2 =	sadd.s32 s3, s2  }
0x8d: {  	s2 =	sadd.s32 s2, s16  }
0x8e: {  	[smem:$0x3FBE] =	sst s2  }
0x8f: {  	_ = 	snop  }
0x90: {  	(tm) =	ssettm $0x1  }
0x91: {  	s17 =	sld [smem:$0x3FFB];
	_ =	sdelay $0x3  }
0x92: {  	_ =	strace s17  }
0x93: {  	s2 =	sld [smem:$0x3FFC];
	_ =	sdelay $0x3  }
0x94: {  	_ =	strace s2  }
0x95: {  	s2 =	sld [smem:$0x3FFD];
	_ =	sdelay $0x3  }
0x96: {  	_ =	strace s2  }
0x97: {  	_ =	strace $0x8FFFFFFF  }
0x98: {  	s18 =	sld [smem:$0x3FDB];
	_ =	sdelay $0x1  }
0x99: {  	s19 =	simm.s32 $_scs_section_size  }
0x9a: {  	s4 =	simm.s32 $_size__tile_overlayer_lowered;
	s5 =	simm.s32 $_tile_overlayer_lowered  }
0x9b: {  	s22 =	simm.s32 $0x1BFF;
	s21 =	sshll.u32 s5, $0x1;
	s2 =	sadd.s32 s19, s18  }
0x9c: {  	s6 =	simm.s32 $0x0;
	s20 =	sshll.u32 s4, $0x1;
	s4 =	sadd.s32 s21, s2  }
0x9d: {  	[timem:s6], [sflag:s22] =	dma.local [hbm:s4], s20  }
0x9e: {  	_ =	swait.ge [sflag:s22], s20  }
0x9f: {  	s3 =	ssub.s32 $0x0, s20;
	[sflag:s22] =	ssyncset.done $0x0  }
0xa0: {  	[sflag:s22] =	ssyncadd.s32 s3;
	_ =	sdelay $0x1  }
0xa1: {  	s23 =	simm.s32 $0x1B8B  }
0xa2: {  	_ =	swait.ge [sflag:s23], $0x1  }
0xa3: {  	[sflag:s23] =	ssyncset.done $0x0  }
0xa4: {  	s25 =	simm.s32 $0x1B8E;
	s24 =	sld [smem:$0x3FFE];
	[sflag:s23] =	ssyncadd.s32 $0xFFFFFFFF  }
0xa5: {  	s26 =	simm.s32 $execute0_lowered;
	[smem:$0x3FD2] =	sst s25  }
0xa6: {  	s4 =	sshll.u32 s26, $0x1;
	_ =	strace $0x80000046;
	[dreg:$0x1] =	wrdreg $0xFFFFFFFF  }
0xa7: {  	s28 =	simm.s32 $_size_execute0_lowered;
	s2 =	sadd.s32 s2, s4;
	[dreg:$0x0] =	wrdreg $0x0  }
0xa8: {  	s4 =	sshll.u32 s28, $0x1;
	[dreg:$0x2] =	wrdreg s2  }
0xa9: {  	[dreg:$0x3] =	wrdreg s4  }
0xaa: {  	[dreg:$0x4] =	wrdreg $0xC0  }
0xab: {  	_ =	task [dreg:s6], $0x5FFFF  }
0xac: {  	[dreg:$0x1] =	wrdreg $0xFFFFFFFF  }
0xad: {  	[dreg:$0x0] =	wrdreg $0x60  }
0xae: {  	[dreg:$0x2] =	wrdreg s24  }
0xaf: {  	[dreg:$0x3] =	wrdreg $0xA8000  }
0xb0: {  	[dreg:$0x4] =	wrdreg $0x9  }
0xb1: {  	_ =	task.clear_ibuf [dreg:s6], $0x5FFFF;
	_ =	strace $0x90000046  }
0xb2: {  	s29 =	simm.s32 $0x9;
	_ =	strace $0x80000048  }
0xb3: {  	_ =	swait.ge [sflag:s29], $0x1  }
0xb4: {  	[sflag:s29] =	ssyncadd.s32 $0xFFFFFFFF  }
0xb5: {  	_ =	strace $0x90000048  }
0xb6: {  	_ =	sfence  }
0xb7: {  	s30 =	sld [smem:$0x0];
	_ =	sdelay $0x2  }
0xb8: {  	s31 =	sshll.u32 s1, $0xD;
	s1 =	sshrl.u32 s1, $0x2  }
0xb9: {  	s3 =	sand.u32 $0x4000, s31;
	s1 =	sadd.s32 s1, s30  }
0xba: {  	s0 =	sor.u32 s3, s0;
	s1 =	sshll.u32 s1, $0x11  }
0xbb: {  	s0 =	sor.u32 s1, s0  }
0xbc: {  	s0 =	sadd.s32 $0x8F2B, s0  }
0xbd: {  	[sflag:s0] =	ssyncadd.remote.s32 $0x1  }
0xbe: {  	_ =	sfence.sel $0xFFFF  }
0xbf: {  	[dreg:$0x0] =	wrdreg $0xFFFFFFFF;
	(pc) =	sbr.abs _section_cstart, $3  }
0xc0: {  	[dreg:$0x1] =	wrdreg $0xFFFFFFFF  }
0xc1: {  	_ =	task.clear_ibuf [dreg:s6], $0x2FFFF;
	_ =	strace $0x9FFFFFFF  }
0xc2: {  	(tm) =	ssettm $0x7FFFFFFF  }
0xc3: {  	_ =	shalt  }
tec
execute0_lowered:
.L_overlay_start_1:
0x0: {  	(tag) =	ssettag $0x1  }
0x1: {  	s5 =	rddreg [dreg:$0x0]  }
0x2: {  	s1 =	rddreg [dreg:$0x1]  }
0x3: {  	s0 =	rddreg [dreg:$0x2];
	s3 =	simm.s32 $0x0;
	s2 =	srdreg.scid  }
0x4: {  	s17 =	simm.s32 $0x1400;
	s18 =	simm.s32 $0x3;
	s19 =	simm.s32 $0x6800  }
0x5: {  	s20 =	simm.s32 $0x1;
	s21 =	simm.s32 $0x2;
	s22 =	simm.s32 $0x1380  }
0x6: {  	s23 =	simm.s32 $0x2700;
	s24 =	simm.s32 $0x2780;
	[smem:$0x7FF] =	sst s3  }
0x7: {  	s6 =	sand.u32 $0x1, s2;
	s2 =	stileid.u32;
	s4 =	sadd.s32 $0x16A00, s5  }
0x8: {  	s10 =	sadd.s32 $0xCA00, s5;
	s11 =	sadd.s32 $0x2A00, s5;
	s7 =	smul.u32 $0x13C000, s6  }
0x9: {  	_ =	strace $0x80000047;
	s8 =	sshll.u32 s2, $0xE;
	s9 =	ssub.s32 $0x2, s6  }
0xa: {  	s6 =	sshll.u32 s6, $0x5;
	s28 =	ssub.s32 $0x5E, s2;
	s14 =	sshll.u32 s2, $0x7  }
0xb: {  	s25 =	sshrl.u32 s9, $0x1;
	s29 =	sor.u32 s2, s6;
	s30 =	sand.u32 $0x380, s14  }
0xc: {  	s7 =	sadd.s32 s8, s7;
	s26 =	ssub.s32 s9, s25;
	s6 =	sshrl.u32 s29, $0x3  }
0xd: {  	s13 =	sor.u32 $0x10, s29;
	s9 =	smul.u32 $0x280, s29;
	s7 =	sshrl.u32 s7, $0x3  }
0xe: {  	s15 =	smul.u32 $0xA000, s6;
	s16 =	sshrl.u32 s13, $0x3;
	s6 =	sadd.s32 s8, s1  }
0xf: {  	s13 =	smul.u32 $0x280, s13;
	s12 =	sadd.s32 s7, s5;
	s5 =	sshrl.u32 s28, $0x4  }
0x10: {  	s31 =	smul.u32 $0xA000, s16;
	s7 =	smax.u32 s26, $0x1;
	s9 =	sadd.s32 s11, s9  }
0x11: {  	s16 =	simm.s32 $0x400;
	s15 =	sor.u32 s30, s15;
	s11 =	sadd.s32 s11, s13  }
0x12: {  	s12 =	sadd.s32 $0x3DC00, s12;
	s15 =	sshrl.u32 s15, $0x3;
	s14 =	sor.u32 s30, s31  }
0x13: {  	s13 =	simm.s32 $0x2800;
	s8 =	sadd.s32 s10, s15;
	s14 =	sshrl.u32 s14, $0x3  }
0x14: {  	v0 =	vimm.f32 $0.0e+00;
	s15 =	simm.s32 $0x80;
	s10 =	sadd.s32 s10, s14;
	s14 =	simm.s32 $0x4  }
.LBB2_1:
0x15: {  	s25 =	simm.s32 $0x0;
	s26 =	simm.s32 $0x200  }
.LBB2_2:
0x16: {  	p0 =	sne.s32 s26, $0xFE00;
	[tilespmem:s25+$0x2870] =	vst v0  }
0x17: {  	[tilespmem:s25+$0x2800] =	vst v0  }
0x18: {  	[tilespmem:s25+$0x2810] =	vst v0  }
.Ltmp0:
0x19: {  	[tilespmem:s25+$0x2820] =	vst v0;
	(pc) =	sbr.rel @p0 .LBB2_2-.Ltmp0, $4  }
0x1a: {  	[tilespmem:s25+$0x2830] =	vst v0  }
0x1b: {  	[tilespmem:s25+$0x2840] =	vst v0  }
0x1c: {  	[tilespmem:s25+$0x2850] =	vst v0  }
0x1d: {  	[tilespmem:s25+$0x2860] =	vst v0;
	s25 =	sshra.s32 s26, $0x2;
	s26 =	sadd.s32 $0x200, s26  }
0x1e: {  	[tilespmem:s25+$0x2870] =	vst v0  }
0x1f: {  	[tilespmem:s25+$0x2800] =	vst v0  }
0x20: {  	[tilespmem:s25+$0x2810] =	vst v0  }
0x21: {  	[tilespmem:s25+$0x2820] =	vst v0  }
0x22: {  	[tilespmem:s25+$0x2830] =	vst v0  }
0x23: {  	[tilespmem:s25+$0x2840] =	vst v0;
	p0 =	sne.s32 s5, $0x1  }
.Ltmp1:
0x24: {  	[tilespmem:s25+$0x2850] =	vst v0;
	(pc) =	sbr.rel @!p0 .LBB2_5-.Ltmp1, $4  }
0x25: {  	[tilespmem:s25+$0x2860] =	vst v0  }
0x26: {  	[spmem:s6] =	stream.linear.scatter [tilespmem:s13], [sflag:$0x4], $0x4000, $0x38;
	[tilespmem:$0x1E400] =	vst v63  }
0x27: {  	_ =	swait.ge [sflag:s14], $0x4000  }
0x28: {  	s25 =	sadd.s32 $0xFFFFFFFF, s5;
	s26 =	smov.u32 s6;
	[sflag:s14] =	ssyncset.done $0x0  }
.LBB2_4:
0x29: {  	p1 =	sne.s32 s25, $0x1;
	[sflag:s14] =	ssyncadd.s32 $0xFFFFC000;
	s26 =	sadd.s32 $0x40000, s26  }
.Ltmp2:
0x2a: {  	s25 =	sadd.s32 $0xFFFFFFFF, s25;
	(pc) =	sbr.rel @p1 .LBB2_4-.Ltmp2, $4  }
0x2b: {  	_ = 	snop  }
0x2c: {  	[spmem:s26] =	stream.linear.scatter [tilespmem:s13], [sflag:$0x4], $0x4000, $0x38;
	[tilespmem:$0x1E400] =	vst v63  }
0x2d: {  	_ =	swait.ge [sflag:s14], $0x4000  }
0x2e: {  	[sflag:s14] =	ssyncset.done $0x0  }
.LBB2_5:
0x2f: {  	[sflag:s14] =	ssyncadd.s32 $0xFFFFC000  }
0x30: {  	s25 =	simm.s32 $0x0;
	[bflag:$0x0] =	sbarrier.arrive $0xFFFF  }
0x31: {  	[tilespmem:s25], [sflag:$0x3] =	stream.strided.gather [hbm4b:s8+s15], $0x1400, s16, s15, $0x38;
	[tilespmem:$0x1E400] =	vst v63  }
0x32: {  	_ = 	snop  }
0x33: {  	[tilespmem:s17], [sflag:$0x3] =	stream.linear.gather [hbm4b:s9+s25], $0x1400, $0x38;
	[tilespmem:$0x1E400] =	vst v63  }
0x34: {  	_ =	swait.ge [sflag:s18], $0x1400  }
0x35: {  	[sflag:s18] =	ssyncset.done $0x0  }
0x36: {  	[sflag:s18] =	ssyncadd.s32 $0xFFFFEC00  }
0x37: {  	_ =	swait.ge [sflag:s18], $0x1400  }
0x38: {  	[sflag:s18] =	ssyncset.done $0x0  }
0x39: {  	[sflag:s18] =	ssyncadd.s32 $0xFFFFEC00  }
0x3a: {  	[tilespmem:s13], [sflag:$0x1] =	stream.indirect.gather [hbm4b:s4+s15], $0x80, s25, s15, $0xb8;
	[tilespmem:$0x1E400] =	vst v63  }
0x3b: {  	s28 =	simm.s32 $0x80  }
0x3c: {  	[tilespmem:s19], [sflag:$0x2] =	stream.indirect.gather [hbm4b:s4+s15], $0x80, s28, s15, $0xb8;
	[tilespmem:$0x1E400] =	vst v63  }
0x3d: {  	_ =	swait.ge [sflag:s20], $0x4000  }
0x3e: {  	[sflag:s20] =	ssyncset.done $0x0  }
0x3f: {  	s29 =	simm.s32 $0x1400;
	[sflag:s20] =	ssyncadd.s32 $0xFFFFC000  }
0x40: {  	[spmem:s1] =	stream.indirect.scatter.add.f32 [tilespmem:s13], [sflag:$0x4], $0x80, s29, s15, $0xb8;
	[tilespmem:$0x1E400] =	vst v63  }
0x41: {  	_ =	swait.ge [sflag:s14], $0x4000  }
0x42: {  	[sflag:s14] =	ssyncset.done $0x0  }
0x43: {  	s30 =	simm.s32 $0x100;
	[sflag:s14] =	ssyncadd.s32 $0xFFFFC000  }
0x44: {  	[tilespmem:s13], [sflag:$0x1] =	stream.indirect.gather [hbm4b:s4+s15], $0x80, s30, s15, $0xb8;
	[tilespmem:$0x1E400] =	vst v63  }
0x45: {  	_ =	swait.ge [sflag:s21], $0x4000  }
0x46: {  	[sflag:s21] =	ssyncset.done $0x0  }
0x47: {  	s31 =	simm.s32 $0x1480;
	[sflag:s21] =	ssyncadd.s32 $0xFFFFC000  }
0x48: {  	[spmem:s1] =	stream.indirect.scatter.add.f32 [tilespmem:s19], [sflag:$0x4], $0x80, s31, s15, $0xb8;
	[tilespmem:$0x1E400] =	vst v63  }
0x49: {  	_ =	swait.ge [sflag:s14], $0x4000  }
0x4a: {  	s26 =	simm.s32 $0x800;
	s25 =	simm.s32 $0x100;
	[sflag:s14] =	ssyncset.done $0x0  }
.LBB2_6:
0x4b: {  	s28 =	sadd.s32 $0x80, s25  }
0x4c: {  	[sflag:s14] =	ssyncadd.s32 $0xFFFFC000;
	s29 =	smov.u32 s26;
	s30 =	sadd.s32 $0x400, s26  }
0x4d: {  	[tilespmem:s19], [sflag:$0x2] =	stream.indirect.gather [hbm4b:s4+s15], $0x80, s28, s15, $0xb8;
	[tilespmem:$0x1E400] =	vst v63  }
0x4e: {  	p1 =	sne.s32 s26, $0x4800;
	_ =	swait.ge [sflag:s20], $0x4000  }
0x4f: {  	[sflag:s20] =	ssyncset.done $0x0  }
0x50: {  	s26 =	sadd.s32 $0x1400, s25;
	[sflag:s20] =	ssyncadd.s32 $0xFFFFC000  }
0x51: {  	[spmem:s1] =	stream.indirect.scatter.add.f32 [tilespmem:s13], [sflag:$0x4], $0x80, s26, s15, $0xb8;
	[tilespmem:$0x1E400] =	vst v63  }
0x52: {  	_ =	swait.ge [sflag:s14], $0x4000  }
0x53: {  	[sflag:s14] =	ssyncset.done $0x0  }
0x54: {  	s26 =	sadd.s32 $0x100, s25;
	[sflag:s14] =	ssyncadd.s32 $0xFFFFC000  }
0x55: {  	[tilespmem:s13], [sflag:$0x1] =	stream.indirect.gather [hbm4b:s4+s15], $0x80, s26, s15, $0xb8;
	[tilespmem:$0x1E400] =	vst v63  }
0x56: {  	_ =	swait.ge [sflag:s21], $0x4000  }
.Ltmp3:
0x57: {  	[sflag:s21] =	ssyncset.done $0x0;
	(pc) =	sbr.rel @p1 .LBB2_6-.Ltmp3, $4  }
0x58: {  	s25 =	sadd.s32 $0x1480, s25;
	[sflag:s21] =	ssyncadd.s32 $0xFFFFC000  }
0x59: {  	[spmem:s1] =	stream.indirect.scatter.add.f32 [tilespmem:s19], [sflag:$0x4], $0x80, s25, s15, $0xb8;
	[tilespmem:$0x1E400] =	vst v63  }
0x5a: {  	_ =	swait.ge [sflag:s14], $0x4000  }
0x5b: {  	s26 =	smov.u32 s30;
	s25 =	sshra.s32 s29, $0x2;
	[sflag:s14] =	ssyncset.done $0x0  }
0x5c: {  	s26 =	sadd.s32 $0x80, s25;
	[sflag:s14] =	ssyncadd.s32 $0xFFFFC000  }
0x5d: {  	[tilespmem:s19], [sflag:$0x2] =	stream.indirect.gather [hbm4b:s4+s15], $0x80, s26, s15, $0xb8;
	[tilespmem:$0x1E400] =	vst v63  }
0x5e: {  	_ =	swait.ge [sflag:s20], $0x4000  }
0x5f: {  	[sflag:s20] =	ssyncset.done $0x0  }
0x60: {  	s29 =	sadd.s32 $0x1400, s25;
	[sflag:s20] =	ssyncadd.s32 $0xFFFFC000  }
0x61: {  	[spmem:s1] =	stream.indirect.scatter.add.f32 [tilespmem:s13], [sflag:$0x4], $0x80, s29, s15, $0xb8;
	[tilespmem:$0x1E400] =	vst v63  }
0x62: {  	_ =	swait.ge [sflag:s14], $0x4000  }
0x63: {  	[sflag:s14] =	ssyncset.done $0x0  }
0x64: {  	s30 =	sadd.s32 $0x100, s25;
	[sflag:s14] =	ssyncadd.s32 $0xFFFFC000  }
0x65: {  	[tilespmem:s13], [sflag:$0x1] =	stream.indirect.gather [hbm4b:s4+s15], $0x80, s30, s15, $0xb8;
	[tilespmem:$0x1E400] =	vst v63  }
0x66: {  	_ =	swait.ge [sflag:s21], $0x4000  }
0x67: {  	[sflag:s21] =	ssyncset.done $0x0  }
0x68: {  	s31 =	sadd.s32 $0x1480, s25;
	[sflag:s21] =	ssyncadd.s32 $0xFFFFC000  }
0x69: {  	[spmem:s1] =	stream.indirect.scatter.add.f32 [tilespmem:s19], [sflag:$0x4], $0x80, s31, s15, $0xb8;
	[tilespmem:$0x1E400] =	vst v63  }
0x6a: {  	_ =	swait.ge [sflag:s14], $0x4000  }
0x6b: {  	[sflag:s14] =	ssyncset.done $0x0  }
0x6c: {  	[sflag:s14] =	ssyncadd.s32 $0xFFFFC000  }
0x6d: {  	[tilespmem:s19], [sflag:$0x2] =	stream.indirect.gather [hbm4b:s4+s15], $0x80, s22, s15, $0xb8;
	[tilespmem:$0x1E400] =	vst v63  }
0x6e: {  	_ =	swait.ge [sflag:s20], $0x4000  }
0x6f: {  	[sflag:s20] =	ssyncset.done $0x0  }
0x70: {  	[sflag:s20] =	ssyncadd.s32 $0xFFFFC000  }
0x71: {  	[spmem:s1] =	stream.indirect.scatter.add.f32 [tilespmem:s13], [sflag:$0x4], $0x80, s23, s15, $0xb8;
	[tilespmem:$0x1E400] =	vst v63  }
0x72: {  	_ =	swait.ge [sflag:s14], $0x4000  }
0x73: {  	[sflag:s14] =	ssyncset.done $0x0  }
0x74: {  	[sflag:s14] =	ssyncadd.s32 $0xFFFFC000  }
0x75: {  	_ =	swait.ge [sflag:s21], $0x4000  }
0x76: {  	[sflag:s21] =	ssyncset.done $0x0  }
0x77: {  	[sflag:s21] =	ssyncadd.s32 $0xFFFFC000  }
0x78: {  	[spmem:s1] =	stream.indirect.scatter.add.f32 [tilespmem:s19], [sflag:$0x4], $0x80, s24, s15, $0xb8;
	[tilespmem:$0x1E400] =	vst v63  }
0x79: {  	_ =	swait.ge [sflag:s14], $0x4000  }
0x7a: {  	[sflag:s14] =	ssyncset.done $0x0  }
0x7b: {  	s26 =	simm.s32 $0x0;
	[sflag:s14] =	ssyncadd.s32 $0xFFFFC000  }
0x7c: {  	[tilespmem:s26], [sflag:$0x3] =	stream.strided.gather [hbm4b:s10+s15], $0x1400, s16, s15, $0x38;
	[tilespmem:$0x1E400] =	vst v63  }
0x7d: {  	_ = 	snop  }
0x7e: {  	[tilespmem:s17], [sflag:$0x3] =	stream.linear.gather [hbm4b:s11+s26], $0x1400, $0x38;
	[tilespmem:$0x1E400] =	vst v63  }
0x7f: {  	_ =	swait.ge [sflag:s18], $0x1400  }
0x80: {  	[sflag:s18] =	ssyncset.done $0x0  }
0x81: {  	[sflag:s18] =	ssyncadd.s32 $0xFFFFEC00  }
0x82: {  	_ =	swait.ge [sflag:s18], $0x1400  }
0x83: {  	[sflag:s18] =	ssyncset.done $0x0  }
0x84: {  	[sflag:s18] =	ssyncadd.s32 $0xFFFFEC00  }
0x85: {  	[tilespmem:s13], [sflag:$0x1] =	stream.indirect.gather [hbm4b:s4+s15], $0x80, s26, s15, $0xb8;
	[tilespmem:$0x1E400] =	vst v63  }
0x86: {  	s28 =	simm.s32 $0x80  }
0x87: {  	[tilespmem:s19], [sflag:$0x2] =	stream.indirect.gather [hbm4b:s4+s15], $0x80, s28, s15, $0xb8;
	[tilespmem:$0x1E400] =	vst v63  }
0x88: {  	_ =	swait.ge [sflag:s20], $0x4000  }
0x89: {  	[sflag:s20] =	ssyncset.done $0x0  }
0x8a: {  	s29 =	simm.s32 $0x1400;
	[sflag:s20] =	ssyncadd.s32 $0xFFFFC000  }
0x8b: {  	[spmem:s1] =	stream.indirect.scatter.add.f32 [tilespmem:s13], [sflag:$0x4], $0x80, s29, s15, $0xb8;
	[tilespmem:$0x1E400] =	vst v63  }
0x8c: {  	_ =	swait.ge [sflag:s14], $0x4000  }
0x8d: {  	[sflag:s14] =	ssyncset.done $0x0  }
0x8e: {  	s30 =	simm.s32 $0x100;
	[sflag:s14] =	ssyncadd.s32 $0xFFFFC000  }
0x8f: {  	[tilespmem:s13], [sflag:$0x1] =	stream.indirect.gather [hbm4b:s4+s15], $0x80, s30, s15, $0xb8;
	[tilespmem:$0x1E400] =	vst v63  }
0x90: {  	_ =	swait.ge [sflag:s21], $0x4000  }
0x91: {  	[sflag:s21] =	ssyncset.done $0x0  }
0x92: {  	s31 =	simm.s32 $0x1480;
	[sflag:s21] =	ssyncadd.s32 $0xFFFFC000  }
0x93: {  	[spmem:s1] =	stream.indirect.scatter.add.f32 [tilespmem:s19], [sflag:$0x4], $0x80, s31, s15, $0xb8;
	[tilespmem:$0x1E400] =	vst v63  }
0x94: {  	_ =	swait.ge [sflag:s14], $0x4000  }
0x95: {  	s25 =	simm.s32 $0x100;
	s26 =	simm.s32 $0x800;
	[sflag:s14] =	ssyncset.done $0x0  }
.LBB2_8:
0x96: {  	s28 =	sadd.s32 $0x80, s25  }
0x97: {  	[sflag:s14] =	ssyncadd.s32 $0xFFFFC000;
	s29 =	smov.u32 s26;
	s30 =	sadd.s32 $0x400, s26  }
0x98: {  	[tilespmem:s19], [sflag:$0x2] =	stream.indirect.gather [hbm4b:s4+s15], $0x80, s28, s15, $0xb8;
	[tilespmem:$0x1E400] =	vst v63  }
0x99: {  	p1 =	sne.s32 s26, $0x4800;
	_ =	swait.ge [sflag:s20], $0x4000  }
0x9a: {  	[sflag:s20] =	ssyncset.done $0x0  }
0x9b: {  	s26 =	sadd.s32 $0x1400, s25;
	[sflag:s20] =	ssyncadd.s32 $0xFFFFC000  }
0x9c: {  	[spmem:s1] =	stream.indirect.scatter.add.f32 [tilespmem:s13], [sflag:$0x4], $0x80, s26, s15, $0xb8;
	[tilespmem:$0x1E400] =	vst v63  }
0x9d: {  	_ =	swait.ge [sflag:s14], $0x4000  }
0x9e: {  	[sflag:s14] =	ssyncset.done $0x0  }
0x9f: {  	s26 =	sadd.s32 $0x100, s25;
	[sflag:s14] =	ssyncadd.s32 $0xFFFFC000  }
0xa0: {  	[tilespmem:s13], [sflag:$0x1] =	stream.indirect.gather [hbm4b:s4+s15], $0x80, s26, s15, $0xb8;
	[tilespmem:$0x1E400] =	vst v63  }
0xa1: {  	_ =	swait.ge [sflag:s21], $0x4000  }
.Ltmp4:
0xa2: {  	[sflag:s21] =	ssyncset.done $0x0;
	(pc) =	sbr.rel @p1 .LBB2_8-.Ltmp4, $4  }
0xa3: {  	s25 =	sadd.s32 $0x1480, s25;
	[sflag:s21] =	ssyncadd.s32 $0xFFFFC000  }
0xa4: {  	[spmem:s1] =	stream.indirect.scatter.add.f32 [tilespmem:s19], [sflag:$0x4], $0x80, s25, s15, $0xb8;
	[tilespmem:$0x1E400] =	vst v63  }
0xa5: {  	_ =	swait.ge [sflag:s14], $0x4000  }
0xa6: {  	s26 =	smov.u32 s30;
	s25 =	sshra.s32 s29, $0x2;
	[sflag:s14] =	ssyncset.done $0x0  }
0xa7: {  	s26 =	sadd.s32 $0x80, s25;
	[sflag:s14] =	ssyncadd.s32 $0xFFFFC000  }
0xa8: {  	[tilespmem:s19], [sflag:$0x2] =	stream.indirect.gather [hbm4b:s4+s15], $0x80, s26, s15, $0xb8;
	[tilespmem:$0x1E400] =	vst v63  }
0xa9: {  	_ =	swait.ge [sflag:s20], $0x4000  }
0xaa: {  	[sflag:s20] =	ssyncset.done $0x0  }
0xab: {  	s30 =	sadd.s32 $0x1400, s25;
	[sflag:s20] =	ssyncadd.s32 $0xFFFFC000  }
0xac: {  	[spmem:s1] =	stream.indirect.scatter.add.f32 [tilespmem:s13], [sflag:$0x4], $0x80, s30, s15, $0xb8;
	[tilespmem:$0x1E400] =	vst v63  }
0xad: {  	_ =	swait.ge [sflag:s14], $0x4000  }
0xae: {  	[sflag:s14] =	ssyncset.done $0x0  }
0xaf: {  	s31 =	sadd.s32 $0x100, s25;
	[sflag:s14] =	ssyncadd.s32 $0xFFFFC000  }
0xb0: {  	[tilespmem:s13], [sflag:$0x1] =	stream.indirect.gather [hbm4b:s4+s15], $0x80, s31, s15, $0xb8;
	[tilespmem:$0x1E400] =	vst v63  }
0xb1: {  	_ =	swait.ge [sflag:s21], $0x4000  }
0xb2: {  	[sflag:s21] =	ssyncset.done $0x0  }
0xb3: {  	s26 =	sadd.s32 $0x1480, s25;
	[sflag:s21] =	ssyncadd.s32 $0xFFFFC000  }
0xb4: {  	[spmem:s1] =	stream.indirect.scatter.add.f32 [tilespmem:s19], [sflag:$0x4], $0x80, s26, s15, $0xb8;
	[tilespmem:$0x1E400] =	vst v63  }
0xb5: {  	_ =	swait.ge [sflag:s14], $0x4000  }
0xb6: {  	[sflag:s14] =	ssyncset.done $0x0  }
0xb7: {  	[sflag:s14] =	ssyncadd.s32 $0xFFFFC000  }
0xb8: {  	[tilespmem:s19], [sflag:$0x2] =	stream.indirect.gather [hbm4b:s4+s15], $0x80, s22, s15, $0xb8;
	[tilespmem:$0x1E400] =	vst v63  }
0xb9: {  	_ =	swait.ge [sflag:s20], $0x4000  }
0xba: {  	[sflag:s20] =	ssyncset.done $0x0  }
0xbb: {  	[sflag:s20] =	ssyncadd.s32 $0xFFFFC000  }
0xbc: {  	[spmem:s1] =	stream.indirect.scatter.add.f32 [tilespmem:s13], [sflag:$0x4], $0x80, s23, s15, $0xb8;
	[tilespmem:$0x1E400] =	vst v63  }
0xbd: {  	_ =	swait.ge [sflag:s14], $0x4000  }
0xbe: {  	[sflag:s14] =	ssyncset.done $0x0  }
0xbf: {  	[sflag:s14] =	ssyncadd.s32 $0xFFFFC000  }
0xc0: {  	_ =	swait.ge [sflag:s21], $0x4000  }
0xc1: {  	[sflag:s21] =	ssyncset.done $0x0  }
0xc2: {  	[sflag:s21] =	ssyncadd.s32 $0xFFFFC000  }
0xc3: {  	[spmem:s1] =	stream.indirect.scatter.add.f32 [tilespmem:s19], [sflag:$0x4], $0x80, s24, s15, $0xb8;
	[tilespmem:$0x1E400] =	vst v63  }
0xc4: {  	_ =	swait.ge [sflag:s14], $0x4000  }
.Ltmp5:
0xc5: {  	[sflag:s14] =	ssyncset.done $0x0;
	(pc) =	sbr.rel @!p0 .LBB2_11-.Ltmp5, $4  }
0xc6: {  	s28 =	sadd.s32 $0x8000, s12;
	s30 =	sshll.u32 s2, $0x6;
	[sflag:s14] =	ssyncadd.s32 $0xFFFFC000  }
0xc7: {  	s25 =	sor.u32 $0x1C04, s30;
	s31 =	sshrl.u32 s6, $0x3;
	[bflag:$0x0] =	sbarrier.arrive $0xFFFF  }
0xc8: {  	[hbm:s12], [sflag:s25] =	dma.local [spmem:s31], $0x800  }
0xc9: {  	s29 =	smov.u32 s6;
	s26 =	sadd.s32 $0xFFFFFFFF, s5;
	_ =	swait.ge [sflag:s14], $0x800  }
.LBB2_10:
0xca: {  	[sflag:s14] =	ssyncset.done $0x0;
	s29 =	sadd.s32 $0x40000, s29;
	p0 =	sne.s32 s26, $0x1  }
.Ltmp6:
0xcb: {  	s30 =	sshrl.u32 s29, $0x3;
	[sflag:s14] =	ssyncadd.s32 $0xFFFFF800;
	(pc) =	sbr.rel @p0 .LBB2_10-.Ltmp6, $3  }
0xcc: {  	[hbm:s28], [sflag:s25] =	dma.local [spmem:s30], $0x800  }
0xcd: {  	s26 =	sadd.s32 $0xFFFFFFFF, s26;
	_ =	sdelay $0x1  }
0xce: {  	s28 =	sadd.s32 $0x8000, s28;
	_ =	swait.ge [sflag:s14], $0x800  }
.LBB2_11:
0xcf: {  	s3 =	sadd.s32 $0x1, s3  }
0xd0: {  	p0 =	sne.s32 s3, s7  }
.Ltmp7:
0xd1: {  	_ = 	snop;
	(pc) =	sbr.rel @p0 .LBB2_1-.Ltmp7, $3  }
0xd2: {  	_ =	sdelay $0x1  }
0xd3: {  	[sflag:s14] =	ssyncset.done $0x0  }
0xd4: {  	[sflag:s14] =	ssyncadd.s32 $0xFFFFF800  }
0xd5: {  	_ =	sfence.sel $0x180000  }
0xd6: {  	[bflag:$0x0] =	sbarrier.arrive $0xFFFF  }
0xd7: {  	p0 =	sne.s32 s2, $0x0;
	_ =	strace $0x90000047  }
0xd8: {  	s0 =	sadd.s32 @!p0 $0x100000, s0;
	[bflag:$0x2] =	sbarrier.arrive $0xFFFF  }
0xd9: {  	[sflag:s0] =	ssyncadd.tile.s32 @!p0 $0x1;
	_ =	shalt  }
.Lfunc_end2:
_tile_overlayer_lowered:
.L_overlay_start_2:
0xda: {  	(tag) =	ssettag $0x2  }
0xdb: {  	s0 =	rddreg [dreg:$0x0];
	s2 =	stileid.u32  }
0xdc: {  	s1 =	rddreg [dreg:$0x1];
	p0 =	sne.s32 s2, $0x0  }
0xdd: {  	s3 =	rddreg [dreg:$0x2];
	[bflag:$0x3] =	sbarrier.arrive $0xFFFF;
	s2 =	simm.s32 @!p0 $0x1C04  }
0xde: {  	[timem:s3], [sflag:s2] =	dma.local @!p0 [hbm:s0], s1  }
0xdf: {  	s0 =	simm.s32 @!p0 $0x4  }
0xe0: {  	_ =	swait.ge @!p0 [sflag:s0], s1  }
0xe1: {  	s1 =	ssub.s32 @!p0 $0x0, s1;
	[sflag:s0] =	ssyncset.done @!p0 $0x0  }
0xe2: {  	[sflag:s0] =	ssyncadd.s32 @!p0 s1  }
0xe3: {  	[bflag:$0x3] =	sbarrier.arrive $0xFFFF  }
0xe4: {  	_ =	shalt  }

</sc_bundles>
